<compile_context>
chip_gen: v7x
topology: tpu7x:2x2x1
jax: 0.10.2.dev20260603
libtpu: 0.0.44.dev20260713+nightly
codegen_flags: <defaults>
</compile_context>

<pallas_src>
import functools

import jax
import jax.numpy as jnp
from jax import lax
from jax.experimental import pallas as pl
from jax.experimental.pallas import tpu as pltpu
from jax.experimental.pallas import tpu_sc as plsc

_TH = 64
_NBUF = 4
_NC = 2
_NS = 16
_NW = _NC * _NS
_L = 16
_CPAD = 24


def _hist_sc_kernel(lbl_hbm, out_hbm, lbl_v, bins_v, *, chunk):
    wid = lax.axis_index("s") * _NC + lax.axis_index("c")
    base = wid * chunk
    pltpu.sync_copy(lbl_hbm.at[pl.ds(base, chunk)], lbl_v)

    for k in range(_CPAD * _L // _L):
        bins_v[pl.ds(k * _L, _L)] = jnp.zeros((_L,), jnp.int32)

    lane = lax.iota(jnp.int32, _L)
    ones = jnp.full((_L,), 1, jnp.int32)

    def body(i, carry):
        lbl = lbl_v[pl.ds(i * _L, _L)]
        idx = lbl * _L + lane
        plsc.addupdate_scatter(bins_v, [idx], ones)
        return carry

    lax.fori_loop(0, chunk // _L, body, 0)
    pltpu.sync_copy(bins_v, out_hbm.at[wid])


def _hist_sc(label_flat):
    chunk = label_flat.shape[0] // _NW
    mesh = plsc.VectorSubcoreMesh(core_axis_name="c", subcore_axis_name="s")
    k = pl.kernel(
        functools.partial(_hist_sc_kernel, chunk=chunk),
        mesh=mesh,
        out_type=jax.ShapeDtypeStruct((_NW, _CPAD * _L), jnp.int32),
        scratch_types=[
            pltpu.VMEM((chunk,), jnp.int32),
            pltpu.VMEM((_CPAD * _L,), jnp.int32),
        ],
        compiler_params=pltpu.CompilerParams(needs_layout_passes=False),
    )
    return k(label_flat)


def _main_kernel(x_hbm, lbl_hbm, out_ref, xbuf, lbuf, xsem, lsem,
                 *, N, C, H, W):
    ht = H // _TH
    nchunks = N * ht

    def start_copy(t, slot):
        n = t // ht
        h = t % ht
        pltpu.make_async_copy(
            x_hbm.at[n, :, pl.ds(h * _TH, _TH), :], xbuf.at[slot],
            xsem.at[slot]).start()
        pltpu.make_async_copy(
            lbl_hbm.at[n, pl.ds(h * _TH, _TH), :], lbuf.at[slot],
            lsem.at[slot]).start()

    out_ref[...] = jnp.zeros_like(out_ref)

    for k in range(_NBUF - 1):
        start_copy(k, k)

    def body(t, carry):
        slot = lax.rem(t, _NBUF)
        nxt = t + _NBUF - 1

        @pl.when(nxt < nchunks)
        def _prefetch():
            start_copy(nxt, lax.rem(nxt, _NBUF))

        pltpu.make_async_copy(
            x_hbm.at[0, :, pl.ds(0, _TH), :], xbuf.at[slot],
            xsem.at[slot]).wait()
        pltpu.make_async_copy(
            lbl_hbm.at[0, pl.ds(0, _TH), :], lbuf.at[slot],
            lsem.at[slot]).wait()

        x = xbuf[slot]
        lbl = lbuf[slot]
        e = jnp.exp(x)
        s1 = jnp.sum(e, axis=0)
        s2 = jnp.sum(e * e, axis=0)
        ratio = s2 / (s1 * s1)

        nfold = W // 128
        for c in range(C):
            v = jnp.where(lbl == c, ratio, 0.0)
            va = v[0:8]
            for k in range(1, _TH // 8):
                va = va + v[8 * k:8 * (k + 1)]
            vr = va[:, 0:128]
            for k in range(1, nfold):
                vr = vr + va[:, 128 * k:128 * (k + 1)]
            out_ref[c] += vr
        return carry

    lax.fori_loop(0, nchunks, body, 0)


def _combine_kernel(s2p_ref, bins_ref, out_ref, *, N, C):
    s2pc = jnp.sum(s2p_ref[...], axis=(1, 2), keepdims=True)
    b = bins_ref[...].astype(jnp.float32)
    hist_cl = jnp.sum(b, axis=0)
    hist = jnp.sum(hist_cl, axis=1, keepdims=True)[0:C, :, None]
    np_total = jnp.sum(hist)
    hist_p = jnp.where(
        hist > 0.0, jnp.exp(0.2 * jnp.log(jnp.maximum(hist, 1.0))), 0.0)
    np_p = jnp.exp(0.8 * jnp.log(jnp.maximum(np_total, 1.0)))
    den = jnp.maximum(hist_p * np_p, 1.0)
    out_ref[0, 0] = -jnp.sum(s2pc / den) / (N * C)


def kernel(nw_out, label):
    N, C, H, W = nw_out.shape

    bins = _hist_sc(label.reshape(-1))

    s2part = pl.pallas_call(
        functools.partial(_main_kernel, N=N, C=C, H=H, W=W),
        in_specs=[
            pl.BlockSpec(memory_space=pl.ANY),
            pl.BlockSpec(memory_space=pl.ANY),
        ],
        out_specs=pl.BlockSpec(memory_space=pltpu.VMEM),
        out_shape=jax.ShapeDtypeStruct((C, 8, 128), jnp.float32),
        scratch_shapes=[
            pltpu.VMEM((_NBUF, C, _TH, W), jnp.float32),
            pltpu.VMEM((_NBUF, _TH, W), jnp.int32),
            pltpu.SemaphoreType.DMA((_NBUF,)),
            pltpu.SemaphoreType.DMA((_NBUF,)),
        ],
    )(nw_out, label)

    loss = pl.pallas_call(
        functools.partial(_combine_kernel, N=N, C=C),
        out_specs=pl.BlockSpec(memory_space=pltpu.SMEM),
        out_shape=jax.ShapeDtypeStruct((1, 1), jnp.float32),
    )(s2part, bins.reshape(_NW, _CPAD, _L))
    return loss[0, 0]

# --- scband reference (transcript-rebuilt; emitter-appended) ---
"""Pipeline reference for scband-msiwex-74242804679385 (READ-ONLY COPY).

The authoritative reference and input builder live on the scoring server;
editing this copy changes nothing except your own understanding.
"""

import jax, jax.numpy as jnp
import numpy as np

ALPHA = 0.2
BETA = 0.0
IGNORE_INDEX = -1
WEIGHTS = 1.0  # beta == 0 path: self.weights = torch.tensor(1.0)


def setup_inputs(seed: int = 0) -> dict:
    key = jax.random.key(seed)
    k1, k2 = jax.random.split(key)
    nw_out = jax.random.normal(k1, (8, 21, 512, 512), dtype=jnp.float32)
    label = jax.random.randint(k2, (8, 512, 512), 0, 21, dtype=jnp.int32)
    return {"nw_out": nw_out, "label": label}


def reference(nw_out, label):
    N, C, H, W = nw_out.shape
    prob = jax.nn.softmax(nw_out, axis=1)
    # label provided -> pred = label.unsqueeze(1)
    pred = label[:, None, :, :]
    mask = (pred != IGNORE_INDEX).astype(jnp.float32)
    # torch.histc(pred, bins=C, min=0, max=C-1): integer class values -> per-class counts,
    # values outside [0, C-1] ignored
    valid = (pred >= 0) & (pred <= C - 1)
    hist = jnp.bincount(
        jnp.where(valid, pred, 0).ravel(),
        weights=valid.ravel().astype(jnp.float32),
        length=C,
    )
    Np = hist.sum()
    w = jnp.power(jnp.asarray(WEIGHTS * H * W, dtype=jnp.float32), BETA)
    den_tab = jnp.clip(
        jnp.power(hist, ALPHA) * w * jnp.power(Np, 1.0 - (ALPHA + BETA)),
        1.0,
    )
    den = den_tab[jnp.clip(pred, 0, C - 1)]  # gather, shape [N,1,H,W]
    loss = -jnp.sum(mask * jnp.power(prob, 2) / den) / (N * C)
    return loss

if __name__ == "__main__":
    import jax
    _d = setup_inputs()
    print(jax.jit(kernel)(*tuple(_d.values())))

</pallas_src>

<mosaic_0001>
#map = affine_map<(d0, d1) -> (0)>
#map1 = affine_map<(d0, d1) -> (0, 0)>
module attributes {stable_mosaic.version = 14 : i64} {
  func.func @_hist_sc_kernel(%arg0: i32, %arg1: i32, %arg2: memref<2097152xi32, #tpu.memory_space<hbm>>, %arg3: memref<32x384xi32, #tpu.memory_space<hbm>>, %arg4: memref<65536xi32, #tpu.memory_space<vmem>>, %arg5: memref<384xi32, #tpu.memory_space<vmem>>) attributes {dimension_semantics = [#tpu.dimension_semantics<core_parallel>, #tpu.dimension_semantics<subcore_parallel>], iteration_bounds = array<i64: 2, 16>, scalar_prefetch = 0 : i64, scratch_operands = 2 : i64, tpu.core_type = #tpu.core_type<sc_vector_subcore>, window_params = [{transform_indices = #map}, {transform_indices = #map1}]} {
    %mul3A = arith.constant 2 : i32
    %mul3A_0 = arith.muli %arg1, %mul3A : i32
    %add3A = arith.addi %mul3A_0, %arg0 : i32
    %mul3A_1 = arith.constant 65536 : i32
    %mul3A_2 = arith.muli %add3A, %mul3A_1 : i32
    "tpu.region"() ({
      %run_scoped3A = tpu.sem_alloc : memref<!tpu.dma_semaphore, #tpu.memory_space<semaphore_mem>>
      %dma_start3A = tpu.memref_slice %arg2[%mul3A_2] : memref<2097152xi32, #tpu.memory_space<hbm>> -> memref<65536xi32, #tpu.memory_space<hbm>>
      %dma_start3A_104 = tpu.memref_slice %arg2[%mul3A_2] : memref<2097152xi32, #tpu.memory_space<hbm>> -> memref<65536xi32, #tpu.memory_space<hbm>>
      tpu.enqueue_dma source(%dma_start3A_104 : memref<65536xi32, #tpu.memory_space<hbm>>) target(%arg4 : memref<65536xi32, #tpu.memory_space<vmem>>) target_semaphore(%run_scoped3A : memref<!tpu.dma_semaphore, #tpu.memory_space<semaphore_mem>>)
      %dma_wait3A = tpu.memref_slice %arg2[%mul3A_2] : memref<2097152xi32, #tpu.memory_space<hbm>> -> memref<65536xi32, #tpu.memory_space<hbm>>
      %dma_wait3A_105 = tpu.memref_slice %arg2[%mul3A_2] : memref<2097152xi32, #tpu.memory_space<hbm>> -> memref<65536xi32, #tpu.memory_space<hbm>>
      tpu.wait_dma2 semaphore(%run_scoped3A : memref<!tpu.dma_semaphore, #tpu.memory_space<semaphore_mem>>) src(%dma_wait3A_105 : memref<65536xi32, #tpu.memory_space<hbm>>) dst(%arg4 : memref<65536xi32, #tpu.memory_space<vmem>>)
      tpu.yield
    }) : () -> ()
    %broadcast_in_dim3A = arith.constant 0 : i32
    %broadcast_in_dim3A_3 = vector.broadcast %broadcast_in_dim3A : i32 to vector<16xi32>
    %swap3A = arith.constant 0 : index
    %swap3A_4 = tpu.vector_load %arg5[%swap3A] {strides = array<i32>} : memref<384xi32, #tpu.memory_space<vmem>>, vector<16xi32>,
    tpu.vector_store %arg5[%swap3A], %broadcast_in_dim3A_3 {strides = array<i32>} : memref<384xi32, #tpu.memory_space<vmem>>, vector<16xi32>,
    %broadcast_in_dim3A_5 = arith.constant 0 : i32
    %broadcast_in_dim3A_6 = vector.broadcast %broadcast_in_dim3A_5 : i32 to vector<16xi32>
    %swap3A_7 = arith.constant 16 : index
    %swap3A_8 = tpu.vector_load %arg5[%swap3A_7] {strides = array<i32>} : memref<384xi32, #tpu.memory_space<vmem>>, vector<16xi32>,
    tpu.vector_store %arg5[%swap3A_7], %broadcast_in_dim3A_6 {strides = array<i32>} : memref<384xi32, #tpu.memory_space<vmem>>, vector<16xi32>,
    %broadcast_in_dim3A_9 = arith.constant 0 : i32
    %broadcast_in_dim3A_10 = vector.broadcast %broadcast_in_dim3A_9 : i32 to vector<16xi32>
    %swap3A_11 = arith.constant 32 : index
    %swap3A_12 = tpu.vector_load %arg5[%swap3A_11] {strides = array<i32>} : memref<384xi32, #tpu.memory_space<vmem>>, vector<16xi32>,
    tpu.vector_store %arg5[%swap3A_11], %broadcast_in_dim3A_10 {strides = array<i32>} : memref<384xi32, #tpu.memory_space<vmem>>, vector<16xi32>,
    %broadcast_in_dim3A_13 = arith.constant 0 : i32
    %broadcast_in_dim3A_14 = vector.broadcast %broadcast_in_dim3A_13 : i32 to vector<16xi32>
    %swap3A_15 = arith.constant 48 : index
    %swap3A_16 = tpu.vector_load %arg5[%swap3A_15] {strides = array<i32>} : memref<384xi32, #tpu.memory_space<vmem>>, vector<16xi32>,
    tpu.vector_store %arg5[%swap3A_15], %broadcast_in_dim3A_14 {strides = array<i32>} : memref<384xi32, #tpu.memory_space<vmem>>, vector<16xi32>,
    %broadcast_in_dim3A_17 = arith.constant 0 : i32
    %broadcast_in_dim3A_18 = vector.broadcast %broadcast_in_dim3A_17 : i32 to vector<16xi32>
    %swap3A_19 = arith.constant 64 : index
    %swap3A_20 = tpu.vector_load %arg5[%swap3A_19] {strides = array<i32>} : memref<384xi32, #tpu.memory_space<vmem>>, vector<16xi32>,
    tpu.vector_store %arg5[%swap3A_19], %broadcast_in_dim3A_18 {strides = array<i32>} : memref<384xi32, #tpu.memory_space<vmem>>, vector<16xi32>,
    %broadcast_in_dim3A_21 = arith.constant 0 : i32
    %broadcast_in_dim3A_22 = vector.broadcast %broadcast_in_dim3A_21 : i32 to vector<16xi32>
    %swap3A_23 = arith.constant 80 : index
    %swap3A_24 = tpu.vector_load %arg5[%swap3A_23] {strides = array<i32>} : memref<384xi32, #tpu.memory_space<vmem>>, vector<16xi32>,
    tpu.vector_store %arg5[%swap3A_23], %broadcast_in_dim3A_22 {strides = array<i32>} : memref<384xi32, #tpu.memory_space<vmem>>, vector<16xi32>,
    %broadcast_in_dim3A_25 = arith.constant 0 : i32
    %broadcast_in_dim3A_26 = vector.broadcast %broadcast_in_dim3A_25 : i32 to vector<16xi32>
    %swap3A_27 = arith.constant 96 : index
    %swap3A_28 = tpu.vector_load %arg5[%swap3A_27] {strides = array<i32>} : memref<384xi32, #tpu.memory_space<vmem>>, vector<16xi32>,
    tpu.vector_store %arg5[%swap3A_27], %broadcast_in_dim3A_26 {strides = array<i32>} : memref<384xi32, #tpu.memory_space<vmem>>, vector<16xi32>,
    %broadcast_in_dim3A_29 = arith.constant 0 : i32
    %broadcast_in_dim3A_30 = vector.broadcast %broadcast_in_dim3A_29 : i32 to vector<16xi32>
    %swap3A_31 = arith.constant 112 : index
    %swap3A_32 = tpu.vector_load %arg5[%swap3A_31] {strides = array<i32>} : memref<384xi32, #tpu.memory_space<vmem>>, vector<16xi32>,
    tpu.vector_store %arg5[%swap3A_31], %broadcast_in_dim3A_30 {strides = array<i32>} : memref<384xi32, #tpu.memory_space<vmem>>, vector<16xi32>,
    %broadcast_in_dim3A_33 = arith.constant 0 : i32
    %broadcast_in_dim3A_34 = vector.broadcast %broadcast_in_dim3A_33 : i32 to vector<16xi32>
    %swap3A_35 = arith.constant 128 : index
    %swap3A_36 = tpu.vector_load %arg5[%swap3A_35] {strides = array<i32>} : memref<384xi32, #tpu.memory_space<vmem>>, vector<16xi32>,
    tpu.vector_store %arg5[%swap3A_35], %broadcast_in_dim3A_34 {strides = array<i32>} : memref<384xi32, #tpu.memory_space<vmem>>, vector<16xi32>,
    %broadcast_in_dim3A_37 = arith.constant 0 : i32
    %broadcast_in_dim3A_38 = vector.broadcast %broadcast_in_dim3A_37 : i32 to vector<16xi32>
    %swap3A_39 = arith.constant 144 : index
    %swap3A_40 = tpu.vector_load %arg5[%swap3A_39] {strides = array<i32>} : memref<384xi32, #tpu.memory_space<vmem>>, vector<16xi32>,
    tpu.vector_store %arg5[%swap3A_39], %broadcast_in_dim3A_38 {strides = array<i32>} : memref<384xi32, #tpu.memory_space<vmem>>, vector<16xi32>,
    %broadcast_in_dim3A_41 = arith.constant 0 : i32
    %broadcast_in_dim3A_42 = vector.broadcast %broadcast_in_dim3A_41 : i32 to vector<16xi32>
    %swap3A_43 = arith.constant 160 : index
    %swap3A_44 = tpu.vector_load %arg5[%swap3A_43] {strides = array<i32>} : memref<384xi32, #tpu.memory_space<vmem>>, vector<16xi32>,
    tpu.vector_store %arg5[%swap3A_43], %broadcast_in_dim3A_42 {strides = array<i32>} : memref<384xi32, #tpu.memory_space<vmem>>, vector<16xi32>,
    %broadcast_in_dim3A_45 = arith.constant 0 : i32
    %broadcast_in_dim3A_46 = vector.broadcast %broadcast_in_dim3A_45 : i32 to vector<16xi32>
    %swap3A_47 = arith.constant 176 : index
    %swap3A_48 = tpu.vector_load %arg5[%swap3A_47] {strides = array<i32>} : memref<384xi32, #tpu.memory_space<vmem>>, vector<16xi32>,
    tpu.vector_store %arg5[%swap3A_47], %broadcast_in_dim3A_46 {strides = array<i32>} : memref<384xi32, #tpu.memory_space<vmem>>, vector<16xi32>,
    %broadcast_in_dim3A_49 = arith.constant 0 : i32
    %broadcast_in_dim3A_50 = vector.broadcast %broadcast_in_dim3A_49 : i32 to vector<16xi32>
    %swap3A_51 = arith.constant 192 : index
    %swap3A_52 = tpu.vector_load %arg5[%swap3A_51] {strides = array<i32>} : memref<384xi32, #tpu.memory_space<vmem>>, vector<16xi32>,
    tpu.vector_store %arg5[%swap3A_51], %broadcast_in_dim3A_50 {strides = array<i32>} : memref<384xi32, #tpu.memory_space<vmem>>, vector<16xi32>,
    %broadcast_in_dim3A_53 = arith.constant 0 : i32
    %broadcast_in_dim3A_54 = vector.broadcast %broadcast_in_dim3A_53 : i32 to vector<16xi32>
    %swap3A_55 = arith.constant 208 : index
    %swap3A_56 = tpu.vector_load %arg5[%swap3A_55] {strides = array<i32>} : memref<384xi32, #tpu.memory_space<vmem>>, vector<16xi32>,
    tpu.vector_store %arg5[%swap3A_55], %broadcast_in_dim3A_54 {strides = array<i32>} : memref<384xi32, #tpu.memory_space<vmem>>, vector<16xi32>,
    %broadcast_in_dim3A_57 = arith.constant 0 : i32
    %broadcast_in_dim3A_58 = vector.broadcast %broadcast_in_dim3A_57 : i32 to vector<16xi32>
    %swap3A_59 = arith.constant 224 : index
    %swap3A_60 = tpu.vector_load %arg5[%swap3A_59] {strides = array<i32>} : memref<384xi32, #tpu.memory_space<vmem>>, vector<16xi32>,
    tpu.vector_store %arg5[%swap3A_59], %broadcast_in_dim3A_58 {strides = array<i32>} : memref<384xi32, #tpu.memory_space<vmem>>, vector<16xi32>,
    %broadcast_in_dim3A_61 = arith.constant 0 : i32
    %broadcast_in_dim3A_62 = vector.broadcast %broadcast_in_dim3A_61 : i32 to vector<16xi32>
    %swap3A_63 = arith.constant 240 : index
    %swap3A_64 = tpu.vector_load %arg5[%swap3A_63] {strides = array<i32>} : memref<384xi32, #tpu.memory_space<vmem>>, vector<16xi32>,
    tpu.vector_store %arg5[%swap3A_63], %broadcast_in_dim3A_62 {strides = array<i32>} : memref<384xi32, #tpu.memory_space<vmem>>, vector<16xi32>,
    %broadcast_in_dim3A_65 = arith.constant 0 : i32
    %broadcast_in_dim3A_66 = vector.broadcast %broadcast_in_dim3A_65 : i32 to vector<16xi32>
    %swap3A_67 = arith.constant 256 : index
    %swap3A_68 = tpu.vector_load %arg5[%swap3A_67] {strides = array<i32>} : memref<384xi32, #tpu.memory_space<vmem>>, vector<16xi32>,
    tpu.vector_store %arg5[%swap3A_67], %broadcast_in_dim3A_66 {strides = array<i32>} : memref<384xi32, #tpu.memory_space<vmem>>, vector<16xi32>,
    %broadcast_in_dim3A_69 = arith.constant 0 : i32
    %broadcast_in_dim3A_70 = vector.broadcast %broadcast_in_dim3A_69 : i32 to vector<16xi32>
    %swap3A_71 = arith.constant 272 : index
    %swap3A_72 = tpu.vector_load %arg5[%swap3A_71] {strides = array<i32>} : memref<384xi32, #tpu.memory_space<vmem>>, vector<16xi32>,
    tpu.vector_store %arg5[%swap3A_71], %broadcast_in_dim3A_70 {strides = array<i32>} : memref<384xi32, #tpu.memory_space<vmem>>, vector<16xi32>,
    %broadcast_in_dim3A_73 = arith.constant 0 : i32
    %broadcast_in_dim3A_74 = vector.broadcast %broadcast_in_dim3A_73 : i32 to vector<16xi32>
    %swap3A_75 = arith.constant 288 : index
    %swap3A_76 = tpu.vector_load %arg5[%swap3A_75] {strides = array<i32>} : memref<384xi32, #tpu.memory_space<vmem>>, vector<16xi32>,
    tpu.vector_store %arg5[%swap3A_75], %broadcast_in_dim3A_74 {strides = array<i32>} : memref<384xi32, #tpu.memory_space<vmem>>, vector<16xi32>,
    %broadcast_in_dim3A_77 = arith.constant 0 : i32
    %broadcast_in_dim3A_78 = vector.broadcast %broadcast_in_dim3A_77 : i32 to vector<16xi32>
    %swap3A_79 = arith.constant 304 : index
    %swap3A_80 = tpu.vector_load %arg5[%swap3A_79] {strides = array<i32>} : memref<384xi32, #tpu.memory_space<vmem>>, vector<16xi32>,
    tpu.vector_store %arg5[%swap3A_79], %broadcast_in_dim3A_78 {strides = array<i32>} : memref<384xi32, #tpu.memory_space<vmem>>, vector<16xi32>,
    %broadcast_in_dim3A_81 = arith.constant 0 : i32
    %broadcast_in_dim3A_82 = vector.broadcast %broadcast_in_dim3A_81 : i32 to vector<16xi32>
    %swap3A_83 = arith.constant 320 : index
    %swap3A_84 = tpu.vector_load %arg5[%swap3A_83] {strides = array<i32>} : memref<384xi32, #tpu.memory_space<vmem>>, vector<16xi32>,
    tpu.vector_store %arg5[%swap3A_83], %broadcast_in_dim3A_82 {strides = array<i32>} : memref<384xi32, #tpu.memory_space<vmem>>, vector<16xi32>,
    %broadcast_in_dim3A_85 = arith.constant 0 : i32
    %broadcast_in_dim3A_86 = vector.broadcast %broadcast_in_dim3A_85 : i32 to vector<16xi32>
    %swap3A_87 = arith.constant 336 : index
    %swap3A_88 = tpu.vector_load %arg5[%swap3A_87] {strides = array<i32>} : memref<384xi32, #tpu.memory_space<vmem>>, vector<16xi32>,
    tpu.vector_store %arg5[%swap3A_87], %broadcast_in_dim3A_86 {strides = array<i32>} : memref<384xi32, #tpu.memory_space<vmem>>, vector<16xi32>,
    %broadcast_in_dim3A_89 = arith.constant 0 : i32
    %broadcast_in_dim3A_90 = vector.broadcast %broadcast_in_dim3A_89 : i32 to vector<16xi32>
    %swap3A_91 = arith.constant 352 : index
    %swap3A_92 = tpu.vector_load %arg5[%swap3A_91] {strides = array<i32>} : memref<384xi32, #tpu.memory_space<vmem>>, vector<16xi32>,
    tpu.vector_store %arg5[%swap3A_91], %broadcast_in_dim3A_90 {strides = array<i32>} : memref<384xi32, #tpu.memory_space<vmem>>, vector<16xi32>,
    %broadcast_in_dim3A_93 = arith.constant 0 : i32
    %broadcast_in_dim3A_94 = vector.broadcast %broadcast_in_dim3A_93 : i32 to vector<16xi32>
    %swap3A_95 = arith.constant 368 : index
    %swap3A_96 = tpu.vector_load %arg5[%swap3A_95] {strides = array<i32>} : memref<384xi32, #tpu.memory_space<vmem>>, vector<16xi32>,
    tpu.vector_store %arg5[%swap3A_95], %broadcast_in_dim3A_94 {strides = array<i32>} : memref<384xi32, #tpu.memory_space<vmem>>, vector<16xi32>,
    %iota3A = tpu.iota {dimensions = array<i32: 0>} : vector<16xi32>
    %broadcast_in_dim3A_97 = arith.constant 1 : i32
    %broadcast_in_dim3A_98 = vector.broadcast %broadcast_in_dim3A_97 : i32 to vector<16xi32>
    %scan3A = arith.constant 0 : i32
    %scan3A_99 = arith.constant 0 : i32
    %scan3A_100 = arith.constant 4096 : i32
    %scan3A_101 = arith.addi %scan3A_99, %scan3A_100 : i32
    %scan3A_102 = arith.constant 1 : i32
    scf.for %scan3A_104 = %scan3A_99 to %scan3A_101 step %scan3A_102  : i32 {
      %mul3A_105 = arith.constant 16 : i32
      %mul3A_106 = arith.muli %scan3A_104, %mul3A_105 : i32
      %get3A = arith.index_cast %mul3A_106 : i32 to index
      %get3A_107 = tpu.vector_load %arg4[%get3A] {strides = array<i32>} : memref<65536xi32, #tpu.memory_space<vmem>>, vector<16xi32>,
      %mul3A_108 = arith.constant 16 : i32
      %mul3A_109 = vector.broadcast %mul3A_108 : i32 to vector<16xi32>
      %mul3A_110 = arith.muli %get3A_107, %mul3A_109 : vector<16xi32>
      %add3A_111 = arith.addi %mul3A_110, %iota3A : vector<16xi32>
      tpu.vector_store_idx %arg5[%add3A_111], %broadcast_in_dim3A_98 {add = true} : memref<384xi32, #tpu.memory_space<vmem>>[vector<16xi32>], vector<16xi32>,
    }
    %scan3A_103 = arith.constant 4096 : i32
    "tpu.region"() ({
      %run_scoped3A = tpu.sem_alloc : memref<!tpu.dma_semaphore, #tpu.memory_space<semaphore_mem>>
      %dma_start3A = arith.constant 0 : i32
      %dma_start3A_104 = tpu.memref_slice %arg3[%add3A, %dma_start3A] : memref<32x384xi32, #tpu.memory_space<hbm>> -> memref<1x384xi32, #tpu.memory_space<hbm>>
      %dma_start3A_105 = tpu.memref_squeeze %dma_start3A_104 : memref<1x384xi32, #tpu.memory_space<hbm>> -> memref<384xi32, #tpu.memory_space<hbm>>
      %dma_start3A_106 = arith.constant 0 : i32
      %dma_start3A_107 = tpu.memref_slice %arg3[%add3A, %dma_start3A_106] : memref<32x384xi32, #tpu.memory_space<hbm>> -> memref<1x384xi32, #tpu.memory_space<hbm>>
      %dma_start3A_108 = tpu.memref_squeeze %dma_start3A_107 : memref<1x384xi32, #tpu.memory_space<hbm>> -> memref<384xi32, #tpu.memory_space<hbm>>
      tpu.enqueue_dma source(%arg5 : memref<384xi32, #tpu.memory_space<vmem>>) target(%dma_start3A_108 : memref<384xi32, #tpu.memory_space<hbm>>) target_semaphore(%run_scoped3A : memref<!tpu.dma_semaphore, #tpu.memory_space<semaphore_mem>>)
      %dma_wait3A = arith.constant 0 : i32
      %dma_wait3A_109 = tpu.memref_slice %arg3[%add3A, %dma_wait3A] : memref<32x384xi32, #tpu.memory_space<hbm>> -> memref<1x384xi32, #tpu.memory_space<hbm>>
      %dma_wait3A_110 = tpu.memref_squeeze %dma_wait3A_109 : memref<1x384xi32, #tpu.memory_space<hbm>> -> memref<384xi32, #tpu.memory_space<hbm>>
      %dma_wait3A_111 = arith.constant 0 : i32
      %dma_wait3A_112 = tpu.memref_slice %arg3[%add3A, %dma_wait3A_111] : memref<32x384xi32, #tpu.memory_space<hbm>> -> memref<1x384xi32, #tpu.memory_space<hbm>>
      %dma_wait3A_113 = tpu.memref_squeeze %dma_wait3A_112 : memref<1x384xi32, #tpu.memory_space<hbm>> -> memref<384xi32, #tpu.memory_space<hbm>>
      tpu.wait_dma2 semaphore(%run_scoped3A : memref<!tpu.dma_semaphore, #tpu.memory_space<semaphore_mem>>) src(%arg5 : memref<384xi32, #tpu.memory_space<vmem>>) dst(%dma_wait3A_113 : memref<384xi32, #tpu.memory_space<hbm>>)
      tpu.yield
    }) : () -> ()
    return
  }
}

module attributes {stable_mosaic.version = 14 : i64} {
  func.func @_main_kernel(%arg0: memref<8x21x512x512xf32, #tpu.memory_space<any>>, %arg1: memref<8x512x512xi32, #tpu.memory_space<any>>, %arg2: memref<21x8x128xf32, #tpu.memory_space<vmem>>, %arg3: memref<4x21x64x512xf32, #tpu.memory_space<vmem>>, %arg4: memref<4x64x512xi32, #tpu.memory_space<vmem>>, %arg5: memref<4x!tpu.dma_semaphore, #tpu.memory_space<semaphore_mem>>, %arg6: memref<4x!tpu.dma_semaphore, #tpu.memory_space<semaphore_mem>>) attributes {dimension_semantics = [], scalar_prefetch = 0 : i64, scratch_operands = 4 : i64, tpu.core_type = #tpu.core_type<tc>} {
    %broadcast_in_dim3A = arith.constant 0.000000e+00 : f32
    %broadcast_in_dim3A_0 = vector.broadcast %broadcast_in_dim3A : f32 to vector<21x8x128xf32>
    %swap3A = arith.constant 0 : index
    %swap3A_1 = arith.constant 0 : index
    %swap3A_2 = arith.constant 0 : index
    %swap3A_3 = vector.load %arg2[%swap3A, %swap3A_1, %swap3A_2] : memref<21x8x128xf32, #tpu.memory_space<vmem>>, vector<21x8x128xf32>
    tpu.vector_store %arg2[%swap3A, %swap3A_1, %swap3A_2], %broadcast_in_dim3A_0 {strides = array<i32>} : memref<21x8x128xf32, #tpu.memory_space<vmem>>, vector<21x8x128xf32>,
    %dma_start3A = arith.constant 0 : i32
    %dma_start3A_4 = arith.constant 0 : i32
    %dma_start3A_5 = arith.constant 0 : i32
    %dma_start3A_6 = tpu.memref_slice %arg5[%dma_start3A_5] : memref<4x!tpu.dma_semaphore, #tpu.memory_space<semaphore_mem>> -> memref<1x!tpu.dma_semaphore, #tpu.memory_space<semaphore_mem>>
    %dma_start3A_7 = tpu.memref_squeeze %dma_start3A_6 : memref<1x!tpu.dma_semaphore, #tpu.memory_space<semaphore_mem>> -> memref<!tpu.dma_semaphore, #tpu.memory_space<semaphore_mem>>
    %dma_start3A_8 = arith.constant 0 : i32
    %dma_start3A_9 = arith.constant 0 : i32
    %dma_start3A_10 = arith.constant 0 : i32
    %dma_start3A_11 = tpu.memref_slice %arg3[%dma_start3A_4, %dma_start3A_8, %dma_start3A_9, %dma_start3A_10] : memref<4x21x64x512xf32, #tpu.memory_space<vmem>> -> memref<1x21x64x512xf32, #tpu.memory_space<vmem>>
    %dma_start3A_12 = tpu.memref_squeeze %dma_start3A_11 : memref<1x21x64x512xf32, #tpu.memory_space<vmem>> -> memref<21x64x512xf32, #tpu.memory_space<vmem>>
    %dma_start3A_13 = arith.constant 0 : i32
    %dma_start3A_14 = arith.constant 0 : i32
    %dma_start3A_15 = arith.constant 0 : i32
    %dma_start3A_16 = tpu.memref_slice %arg0[%dma_start3A, %dma_start3A_13, %dma_start3A_14, %dma_start3A_15] : memref<8x21x512x512xf32, #tpu.memory_space<any>> -> memref<1x21x64x512xf32, #tpu.memory_space<any>>
    %dma_start3A_17 = tpu.memref_squeeze %dma_start3A_16 : memref<1x21x64x512xf32, #tpu.memory_space<any>> -> memref<21x64x512xf32, #tpu.memory_space<any>>
    tpu.enqueue_dma source(%dma_start3A_17 : memref<21x64x512xf32, #tpu.memory_space<any>>) target(%dma_start3A_12 : memref<21x64x512xf32, #tpu.memory_space<vmem>>) target_semaphore(%dma_start3A_7 : memref<!tpu.dma_semaphore, #tpu.memory_space<semaphore_mem>>)
    %dma_start3A_18 = arith.constant 0 : i32
    %dma_start3A_19 = arith.constant 0 : i32
    %dma_start3A_20 = arith.constant 0 : i32
    %dma_start3A_21 = tpu.memref_slice %arg6[%dma_start3A_20] : memref<4x!tpu.dma_semaphore, #tpu.memory_space<semaphore_mem>> -> memref<1x!tpu.dma_semaphore, #tpu.memory_space<semaphore_mem>>
    %dma_start3A_22 = tpu.memref_squeeze %dma_start3A_21 : memref<1x!tpu.dma_semaphore, #tpu.memory_space<semaphore_mem>> -> memref<!tpu.dma_semaphore, #tpu.memory_space<semaphore_mem>>
    %dma_start3A_23 = arith.constant 0 : i32
    %dma_start3A_24 = arith.constant 0 : i32
    %dma_start3A_25 = tpu.memref_slice %arg4[%dma_start3A_19, %dma_start3A_23, %dma_start3A_24] : memref<4x64x512xi32, #tpu.memory_space<vmem>> -> memref<1x64x512xi32, #tpu.memory_space<vmem>>
    %dma_start3A_26 = tpu.memref_squeeze %dma_start3A_25 : memref<1x64x512xi32, #tpu.memory_space<vmem>> -> memref<64x512xi32, #tpu.memory_space<vmem>>
    %dma_start3A_27 = arith.constant 0 : i32
    %dma_start3A_28 = arith.constant 0 : i32
    %dma_start3A_29 = tpu.memref_slice %arg1[%dma_start3A_18, %dma_start3A_27, %dma_start3A_28] : memref<8x512x512xi32, #tpu.memory_space<any>> -> memref<1x64x512xi32, #tpu.memory_space<any>>
    %dma_start3A_30 = tpu.memref_squeeze %dma_start3A_29 : memref<1x64x512xi32, #tpu.memory_space<any>> -> memref<64x512xi32, #tpu.memory_space<any>>
    tpu.enqueue_dma source(%dma_start3A_30 : memref<64x512xi32, #tpu.memory_space<any>>) target(%dma_start3A_26 : memref<64x512xi32, #tpu.memory_space<vmem>>) target_semaphore(%dma_start3A_22 : memref<!tpu.dma_semaphore, #tpu.memory_space<semaphore_mem>>)
    %dma_start3A_31 = arith.constant 0 : i32
    %dma_start3A_32 = arith.constant 1 : i32
    %dma_start3A_33 = arith.constant 1 : i32
    %dma_start3A_34 = tpu.memref_slice %arg5[%dma_start3A_33] : memref<4x!tpu.dma_semaphore, #tpu.memory_space<semaphore_mem>> -> memref<1x!tpu.dma_semaphore, #tpu.memory_space<semaphore_mem>>
    %dma_start3A_35 = tpu.memref_squeeze %dma_start3A_34 : memref<1x!tpu.dma_semaphore, #tpu.memory_space<semaphore_mem>> -> memref<!tpu.dma_semaphore, #tpu.memory_space<semaphore_mem>>
    %dma_start3A_36 = arith.constant 0 : i32
    %dma_start3A_37 = arith.constant 0 : i32
    %dma_start3A_38 = arith.constant 0 : i32
    %dma_start3A_39 = tpu.memref_slice %arg3[%dma_start3A_32, %dma_start3A_36, %dma_start3A_37, %dma_start3A_38] : memref<4x21x64x512xf32, #tpu.memory_space<vmem>> -> memref<1x21x64x512xf32, #tpu.memory_space<vmem>>
    %dma_start3A_40 = tpu.memref_squeeze %dma_start3A_39 : memref<1x21x64x512xf32, #tpu.memory_space<vmem>> -> memref<21x64x512xf32, #tpu.memory_space<vmem>>
    %dma_start3A_41 = arith.constant 0 : i32
    %dma_start3A_42 = arith.constant 64 : i32
    %dma_start3A_43 = arith.constant 0 : i32
    %dma_start3A_44 = tpu.memref_slice %arg0[%dma_start3A_31, %dma_start3A_41, %dma_start3A_42, %dma_start3A_43] : memref<8x21x512x512xf32, #tpu.memory_space<any>> -> memref<1x21x64x512xf32, #tpu.memory_space<any>>
    %dma_start3A_45 = tpu.memref_squeeze %dma_start3A_44 : memref<1x21x64x512xf32, #tpu.memory_space<any>> -> memref<21x64x512xf32, #tpu.memory_space<any>>
    tpu.enqueue_dma source(%dma_start3A_45 : memref<21x64x512xf32, #tpu.memory_space<any>>) target(%dma_start3A_40 : memref<21x64x512xf32, #tpu.memory_space<vmem>>) target_semaphore(%dma_start3A_35 : memref<!tpu.dma_semaphore, #tpu.memory_space<semaphore_mem>>)
    %dma_start3A_46 = arith.constant 0 : i32
    %dma_start3A_47 = arith.constant 1 : i32
    %dma_start3A_48 = arith.constant 1 : i32
    %dma_start3A_49 = tpu.memref_slice %arg6[%dma_start3A_48] : memref<4x!tpu.dma_semaphore, #tpu.memory_space<semaphore_mem>> -> memref<1x!tpu.dma_semaphore, #tpu.memory_space<semaphore_mem>>
    %dma_start3A_50 = tpu.memref_squeeze %dma_start3A_49 : memref<1x!tpu.dma_semaphore, #tpu.memory_space<semaphore_mem>> -> memref<!tpu.dma_semaphore, #tpu.memory_space<semaphore_mem>>
    %dma_start3A_51 = arith.constant 0 : i32
    %dma_start3A_52 = arith.constant 0 : i32
    %dma_start3A_53 = tpu.memref_slice %arg4[%dma_start3A_47, %dma_start3A_51, %dma_start3A_52] : memref<4x64x512xi32, #tpu.memory_space<vmem>> -> memref<1x64x512xi32, #tpu.memory_space<vmem>>
    %dma_start3A_54 = tpu.memref_squeeze %dma_start3A_53 : memref<1x64x512xi32, #tpu.memory_space<vmem>> -> memref<64x512xi32, #tpu.memory_space<vmem>>
    %dma_start3A_55 = arith.constant 64 : i32
    %dma_start3A_56 = arith.constant 0 : i32
    %dma_start3A_57 = tpu.memref_slice %arg1[%dma_start3A_46, %dma_start3A_55, %dma_start3A_56] : memref<8x512x512xi32, #tpu.memory_space<any>> -> memref<1x64x512xi32, #tpu.memory_space<any>>
    %dma_start3A_58 = tpu.memref_squeeze %dma_start3A_57 : memref<1x64x512xi32, #tpu.memory_space<any>> -> memref<64x512xi32, #tpu.memory_space<any>>
    tpu.enqueue_dma source(%dma_start3A_58 : memref<64x512xi32, #tpu.memory_space<any>>) target(%dma_start3A_54 : memref<64x512xi32, #tpu.memory_space<vmem>>) target_semaphore(%dma_start3A_50 : memref<!tpu.dma_semaphore, #tpu.memory_space<semaphore_mem>>)
    %dma_start3A_59 = arith.constant 0 : i32
    %dma_start3A_60 = arith.constant 2 : i32
    %dma_start3A_61 = arith.constant 2 : i32
    %dma_start3A_62 = tpu.memref_slice %arg5[%dma_start3A_61] : memref<4x!tpu.dma_semaphore, #tpu.memory_space<semaphore_mem>> -> memref<1x!tpu.dma_semaphore, #tpu.memory_space<semaphore_mem>>
    %dma_start3A_63 = tpu.memref_squeeze %dma_start3A_62 : memref<1x!tpu.dma_semaphore, #tpu.memory_space<semaphore_mem>> -> memref<!tpu.dma_semaphore, #tpu.memory_space<semaphore_mem>>
    %dma_start3A_64 = arith.constant 0 : i32
    %dma_start3A_65 = arith.constant 0 : i32
    %dma_start3A_66 = arith.constant 0 : i32
    %dma_start3A_67 = tpu.memref_slice %arg3[%dma_start3A_60, %dma_start3A_64, %dma_start3A_65, %dma_start3A_66] : memref<4x21x64x512xf32, #tpu.memory_space<vmem>> -> memref<1x21x64x512xf32, #tpu.memory_space<vmem>>
    %dma_start3A_68 = tpu.memref_squeeze %dma_start3A_67 : memref<1x21x64x512xf32, #tpu.memory_space<vmem>> -> memref<21x64x512xf32, #tpu.memory_space<vmem>>
    %dma_start3A_69 = arith.constant 0 : i32
    %dma_start3A_70 = arith.constant 128 : i32
    %dma_start3A_71 = arith.constant 0 : i32
    %dma_start3A_72 = tpu.memref_slice %arg0[%dma_start3A_59, %dma_start3A_69, %dma_start3A_70, %dma_start3A_71] : memref<8x21x512x512xf32, #tpu.memory_space<any>> -> memref<1x21x64x512xf32, #tpu.memory_space<any>>
    %dma_start3A_73 = tpu.memref_squeeze %dma_start3A_72 : memref<1x21x64x512xf32, #tpu.memory_space<any>> -> memref<21x64x512xf32, #tpu.memory_space<any>>
    tpu.enqueue_dma source(%dma_start3A_73 : memref<21x64x512xf32, #tpu.memory_space<any>>) target(%dma_start3A_68 : memref<21x64x512xf32, #tpu.memory_space<vmem>>) target_semaphore(%dma_start3A_63 : memref<!tpu.dma_semaphore, #tpu.memory_space<semaphore_mem>>)
    %dma_start3A_74 = arith.constant 0 : i32
    %dma_start3A_75 = arith.constant 2 : i32
    %dma_start3A_76 = arith.constant 2 : i32
    %dma_start3A_77 = tpu.memref_slice %arg6[%dma_start3A_76] : memref<4x!tpu.dma_semaphore, #tpu.memory_space<semaphore_mem>> -> memref<1x!tpu.dma_semaphore, #tpu.memory_space<semaphore_mem>>
    %dma_start3A_78 = tpu.memref_squeeze %dma_start3A_77 : memref<1x!tpu.dma_semaphore, #tpu.memory_space<semaphore_mem>> -> memref<!tpu.dma_semaphore, #tpu.memory_space<semaphore_mem>>
    %dma_start3A_79 = arith.constant 0 : i32
    %dma_start3A_80 = arith.constant 0 : i32
    %dma_start3A_81 = tpu.memref_slice %arg4[%dma_start3A_75, %dma_start3A_79, %dma_start3A_80] : memref<4x64x512xi32, #tpu.memory_space<vmem>> -> memref<1x64x512xi32, #tpu.memory_space<vmem>>
    %dma_start3A_82 = tpu.memref_squeeze %dma_start3A_81 : memref<1x64x512xi32, #tpu.memory_space<vmem>> -> memref<64x512xi32, #tpu.memory_space<vmem>>
    %dma_start3A_83 = arith.constant 128 : i32
    %dma_start3A_84 = arith.constant 0 : i32
    %dma_start3A_85 = tpu.memref_slice %arg1[%dma_start3A_74, %dma_start3A_83, %dma_start3A_84] : memref<8x512x512xi32, #tpu.memory_space<any>> -> memref<1x64x512xi32, #tpu.memory_space<any>>
    %dma_start3A_86 = tpu.memref_squeeze %dma_start3A_85 : memref<1x64x512xi32, #tpu.memory_space<any>> -> memref<64x512xi32, #tpu.memory_space<any>>
    tpu.enqueue_dma source(%dma_start3A_86 : memref<64x512xi32, #tpu.memory_space<any>>) target(%dma_start3A_82 : memref<64x512xi32, #tpu.memory_space<vmem>>) target_semaphore(%dma_start3A_78 : memref<!tpu.dma_semaphore, #tpu.memory_space<semaphore_mem>>)
    %scan3A = arith.constant 0 : i32
    %scan3A_87 = arith.constant 64 : i32
    %scan3A_88 = arith.addi %scan3A, %scan3A_87 : i32
    %scan3A_89 = arith.constant 1 : i32
    scf.for %scan3A_91 = %scan3A to %scan3A_88 step %scan3A_89  : i32 {
      %rem3A = arith.constant 4 : i32
      %rem3A_92 = arith.remsi %scan3A_91, %rem3A : i32
      %add3A = arith.constant 4 : i32
      %add3A_93 = arith.addi %scan3A_91, %add3A : i32
      %sub3A = arith.constant 1 : i32
      %sub3A_94 = arith.subi %add3A_93, %sub3A : i32
      %lt3A = arith.constant 64 : i32
      %lt3A_95 = arith.cmpi slt, %sub3A_94, %lt3A : i32
      %convert_element_type3A = arith.extui %lt3A_95 : i1 to i32
      %cond3A = arith.constant 0 : i32
      %cond3A_96 = arith.cmpi ne, %convert_element_type3A, %cond3A : i32
      scf.if %cond3A_96 {
        %rem3A_970 = arith.constant 4 : i32
        %rem3A_971 = arith.remsi %sub3A_94, %rem3A_970 : i32
        %jit3A_972 = arith.constant 8 : i32
        %div3A_973 = arith.divsi %sub3A_94, %jit3A_972 : i32
        %sign3A = arith.constant 0 : i32
        %sign3A_974 = arith.cmpi sgt, %sub3A_94, %sign3A : i32
        %sign3A_975 = arith.extui %sign3A_974 : i1 to i32
        %sign3A_976 = arith.constant 0 : i32
        %sign3A_977 = arith.cmpi slt, %sub3A_94, %sign3A_976 : i32
        %sign3A_978 = arith.extui %sign3A_977 : i1 to i32
        %sign3A_979 = arith.subi %sign3A_975, %sign3A_978 : i32
        %sign3A_980 = arith.constant 0 : i32
        %sign3A_981 = arith.cmpi sgt, %jit3A_972, %sign3A_980 : i32
        %sign3A_982 = arith.extui %sign3A_981 : i1 to i32
        %sign3A_983 = arith.constant 0 : i32
        %sign3A_984 = arith.cmpi slt, %jit3A_972, %sign3A_983 : i32
        %sign3A_985 = arith.extui %sign3A_984 : i1 to i32
        %sign3A_986 = arith.subi %sign3A_982, %sign3A_985 : i32
        %ne3A = arith.cmpi ne, %sign3A_979, %sign3A_986 : i32
        %rem3A_987 = arith.remsi %sub3A_94, %jit3A_972 : i32
        %ne3A_988 = arith.constant 0 : i32
        %ne3A_989 = arith.cmpi ne, %rem3A_987, %ne3A_988 : i32
        %and3A = arith.andi %ne3A, %ne3A_989 : i1
        %sub3A_990 = arith.constant 1 : i32
        %sub3A_991 = arith.subi %div3A_973, %sub3A_990 : i32
        %select_n3A_992 = arith.select %and3A, %sub3A_991, %div3A_973 : i32
        %jit3A_993 = arith.constant 8 : i32
        %eq3A_994 = arith.constant 0 : i32
        %eq3A_995 = arith.cmpi eq, %jit3A_993, %eq3A_994 : i32
        %jit3A_996 = arith.constant 1 : i32
        %select_n3A_997 = arith.select %eq3A_995, %jit3A_996, %jit3A_993 : i32
        %rem3A_998 = arith.remsi %sub3A_94, %select_n3A_997 : i32
        %ne3A_999 = arith.constant 0 : i32
        %ne3A_1000 = arith.cmpi ne, %rem3A_998, %ne3A_999 : i32
        %lt3A_1001 = arith.constant 0 : i32
        %lt3A_1002 = arith.cmpi slt, %rem3A_998, %lt3A_1001 : i32
        %lt3A_1003 = arith.constant 0 : i32
        %lt3A_1004 = arith.cmpi slt, %select_n3A_997, %lt3A_1003 : i32
        %ne3A_1005 = arith.xori %lt3A_1002, %lt3A_1004 : i1
        %and3A_1006 = arith.andi %ne3A_1005, %ne3A_1000 : i1
        %add3A_1007 = arith.addi %rem3A_998, %select_n3A_997 : i32
        %select_n3A_1008 = arith.select %and3A_1006, %add3A_1007, %rem3A_998 : i32
        %mul3A_1009 = arith.constant 64 : i32
        %mul3A_1010 = arith.muli %select_n3A_1008, %mul3A_1009 : i32
        %dma_start3A_1011 = tpu.memref_slice %arg5[%rem3A_971] : memref<4x!tpu.dma_semaphore, #tpu.memory_space<semaphore_mem>> -> memref<1x!tpu.dma_semaphore, #tpu.memory_space<semaphore_mem>>
        %dma_start3A_1012 = tpu.memref_squeeze %dma_start3A_1011 : memref<1x!tpu.dma_semaphore, #tpu.memory_space<semaphore_mem>> -> memref<!tpu.dma_semaphore, #tpu.memory_space<semaphore_mem>>
        %dma_start3A_1013 = arith.constant 0 : i32
        %dma_start3A_1014 = arith.constant 0 : i32
        %dma_start3A_1015 = arith.constant 0 : i32
        %dma_start3A_1016 = tpu.memref_slice %arg3[%rem3A_971, %dma_start3A_1013, %dma_start3A_1014, %dma_start3A_1015] : memref<4x21x64x512xf32, #tpu.memory_space<vmem>> -> memref<1x21x64x512xf32, #tpu.memory_space<vmem>>
        %dma_start3A_1017 = tpu.memref_squeeze %dma_start3A_1016 : memref<1x21x64x512xf32, #tpu.memory_space<vmem>> -> memref<21x64x512xf32, #tpu.memory_space<vmem>>
        %dma_start3A_1018 = arith.constant 0 : i32
        %dma_start3A_1019 = arith.constant 0 : i32
        %dma_start3A_1020 = tpu.memref_slice %arg0[%select_n3A_992, %dma_start3A_1018, %mul3A_1010, %dma_start3A_1019] : memref<8x21x512x512xf32, #tpu.memory_space<any>> -> memref<1x21x64x512xf32, #tpu.memory_space<any>>
        %dma_start3A_1021 = tpu.memref_squeeze %dma_start3A_1020 : memref<1x21x64x512xf32, #tpu.memory_space<any>> -> memref<21x64x512xf32, #tpu.memory_space<any>>
        tpu.enqueue_dma source(%dma_start3A_1021 : memref<21x64x512xf32, #tpu.memory_space<any>>) target(%dma_start3A_1017 : memref<21x64x512xf32, #tpu.memory_space<vmem>>) target_semaphore(%dma_start3A_1012 : memref<!tpu.dma_semaphore, #tpu.memory_space<semaphore_mem>>)
        %mul3A_1022 = arith.constant 64 : i32
        %mul3A_1023 = arith.muli %select_n3A_1008, %mul3A_1022 : i32
        %dma_start3A_1024 = tpu.memref_slice %arg6[%rem3A_971] : memref<4x!tpu.dma_semaphore, #tpu.memory_space<semaphore_mem>> -> memref<1x!tpu.dma_semaphore, #tpu.memory_space<semaphore_mem>>
        %dma_start3A_1025 = tpu.memref_squeeze %dma_start3A_1024 : memref<1x!tpu.dma_semaphore, #tpu.memory_space<semaphore_mem>> -> memref<!tpu.dma_semaphore, #tpu.memory_space<semaphore_mem>>
        %dma_start3A_1026 = arith.constant 0 : i32
        %dma_start3A_1027 = arith.constant 0 : i32
        %dma_start3A_1028 = tpu.memref_slice %arg4[%rem3A_971, %dma_start3A_1026, %dma_start3A_1027] : memref<4x64x512xi32, #tpu.memory_space<vmem>> -> memref<1x64x512xi32, #tpu.memory_space<vmem>>
        %dma_start3A_1029 = tpu.memref_squeeze %dma_start3A_1028 : memref<1x64x512xi32, #tpu.memory_space<vmem>> -> memref<64x512xi32, #tpu.memory_space<vmem>>
        %dma_start3A_1030 = arith.constant 0 : i32
        %dma_start3A_1031 = tpu.memref_slice %arg1[%select_n3A_992, %mul3A_1023, %dma_start3A_1030] : memref<8x512x512xi32, #tpu.memory_space<any>> -> memref<1x64x512xi32, #tpu.memory_space<any>>
        %dma_start3A_1032 = tpu.memref_squeeze %dma_start3A_1031 : memref<1x64x512xi32, #tpu.memory_space<any>> -> memref<64x512xi32, #tpu.memory_space<any>>
        tpu.enqueue_dma source(%dma_start3A_1032 : memref<64x512xi32, #tpu.memory_space<any>>) target(%dma_start3A_1029 : memref<64x512xi32, #tpu.memory_space<vmem>>) target_semaphore(%dma_start3A_1025 : memref<!tpu.dma_semaphore, #tpu.memory_space<semaphore_mem>>)
      } else {
      }
      %dma_wait3A = arith.constant 0 : i32
      %dma_wait3A_97 = tpu.memref_slice %arg5[%rem3A_92] : memref<4x!tpu.dma_semaphore, #tpu.memory_space<semaphore_mem>> -> memref<1x!tpu.dma_semaphore, #tpu.memory_space<semaphore_mem>>
      %dma_wait3A_98 = tpu.memref_squeeze %dma_wait3A_97 : memref<1x!tpu.dma_semaphore, #tpu.memory_space<semaphore_mem>> -> memref<!tpu.dma_semaphore, #tpu.memory_space<semaphore_mem>>
      %dma_wait3A_99 = arith.constant 0 : i32
      %dma_wait3A_100 = arith.constant 0 : i32
      %dma_wait3A_101 = arith.constant 0 : i32
      %dma_wait3A_102 = tpu.memref_slice %arg3[%rem3A_92, %dma_wait3A_99, %dma_wait3A_100, %dma_wait3A_101] : memref<4x21x64x512xf32, #tpu.memory_space<vmem>> -> memref<1x21x64x512xf32, #tpu.memory_space<vmem>>
      %dma_wait3A_103 = tpu.memref_squeeze %dma_wait3A_102 : memref<1x21x64x512xf32, #tpu.memory_space<vmem>> -> memref<21x64x512xf32, #tpu.memory_space<vmem>>
      %dma_wait3A_104 = arith.constant 0 : i32
      %dma_wait3A_105 = arith.constant 0 : i32
      %dma_wait3A_106 = arith.constant 0 : i32
      %dma_wait3A_107 = tpu.memref_slice %arg0[%dma_wait3A, %dma_wait3A_104, %dma_wait3A_105, %dma_wait3A_106] : memref<8x21x512x512xf32, #tpu.memory_space<any>> -> memref<1x21x64x512xf32, #tpu.memory_space<any>>
      %dma_wait3A_108 = tpu.memref_squeeze %dma_wait3A_107 : memref<1x21x64x512xf32, #tpu.memory_space<any>> -> memref<21x64x512xf32, #tpu.memory_space<any>>
      tpu.wait_dma2 semaphore(%dma_wait3A_98 : memref<!tpu.dma_semaphore, #tpu.memory_space<semaphore_mem>>) src(%dma_wait3A_108 : memref<21x64x512xf32, #tpu.memory_space<any>>) dst(%dma_wait3A_103 : memref<21x64x512xf32, #tpu.memory_space<vmem>>)
      %dma_wait3A_109 = arith.constant 0 : i32
      %dma_wait3A_110 = tpu.memref_slice %arg6[%rem3A_92] : memref<4x!tpu.dma_semaphore, #tpu.memory_space<semaphore_mem>> -> memref<1x!tpu.dma_semaphore, #tpu.memory_space<semaphore_mem>>
      %dma_wait3A_111 = tpu.memref_squeeze %dma_wait3A_110 : memref<1x!tpu.dma_semaphore, #tpu.memory_space<semaphore_mem>> -> memref<!tpu.dma_semaphore, #tpu.memory_space<semaphore_mem>>
      %dma_wait3A_112 = arith.constant 0 : i32
      %dma_wait3A_113 = arith.constant 0 : i32
      %dma_wait3A_114 = tpu.memref_slice %arg4[%rem3A_92, %dma_wait3A_112, %dma_wait3A_113] : memref<4x64x512xi32, #tpu.memory_space<vmem>> -> memref<1x64x512xi32, #tpu.memory_space<vmem>>
      %dma_wait3A_115 = tpu.memref_squeeze %dma_wait3A_114 : memref<1x64x512xi32, #tpu.memory_space<vmem>> -> memref<64x512xi32, #tpu.memory_space<vmem>>
      %dma_wait3A_116 = arith.constant 0 : i32
      %dma_wait3A_117 = arith.constant 0 : i32
      %dma_wait3A_118 = tpu.memref_slice %arg1[%dma_wait3A_109, %dma_wait3A_116, %dma_wait3A_117] : memref<8x512x512xi32, #tpu.memory_space<any>> -> memref<1x64x512xi32, #tpu.memory_space<any>>
      %dma_wait3A_119 = tpu.memref_squeeze %dma_wait3A_118 : memref<1x64x512xi32, #tpu.memory_space<any>> -> memref<64x512xi32, #tpu.memory_space<any>>
      tpu.wait_dma2 semaphore(%dma_wait3A_111 : memref<!tpu.dma_semaphore, #tpu.memory_space<semaphore_mem>>) src(%dma_wait3A_119 : memref<64x512xi32, #tpu.memory_space<any>>) dst(%dma_wait3A_115 : memref<64x512xi32, #tpu.memory_space<vmem>>)
      %get3A = arith.index_cast %rem3A_92 : i32 to index
      %get3A_120 = arith.constant 0 : index
      %get3A_121 = arith.constant 0 : index
      %get3A_122 = arith.constant 0 : index
      %get3A_123 = vector.load %arg3[%get3A, %get3A_120, %get3A_121, %get3A_122] : memref<4x21x64x512xf32, #tpu.memory_space<vmem>>, vector<1x21x64x512xf32>
      %get3A_124 = vector.shape_cast %get3A_123 : vector<1x21x64x512xf32> to vector<21x64x512xf32>
      %get3A_125 = arith.index_cast %rem3A_92 : i32 to index
      %get3A_126 = arith.constant 0 : index
      %get3A_127 = arith.constant 0 : index
      %get3A_128 = vector.load %arg4[%get3A_125, %get3A_126, %get3A_127] : memref<4x64x512xi32, #tpu.memory_space<vmem>>, vector<1x64x512xi32>
      %get3A_129 = vector.shape_cast %get3A_128 : vector<1x64x512xi32> to vector<64x512xi32>
      %exp3A = math.exp %get3A_124 : vector<21x64x512xf32>
      %reduce_sum3A = arith.constant dense<0.000000e+00> : vector<64x512xf32>
      %reduce_sum3A_130 = vector.multi_reduction <add>, %exp3A, %reduce_sum3A [0] : vector<21x64x512xf32> to vector<64x512xf32>
      %mul3A = arith.mulf %exp3A, %exp3A : vector<21x64x512xf32>
      %reduce_sum3A_131 = arith.constant dense<0.000000e+00> : vector<64x512xf32>
      %reduce_sum3A_132 = vector.multi_reduction <add>, %mul3A, %reduce_sum3A_131 [0] : vector<21x64x512xf32> to vector<64x512xf32>
      %mul3A_133 = arith.mulf %reduce_sum3A_130, %reduce_sum3A_130 : vector<64x512xf32>
      %div3A = arith.divf %reduce_sum3A_132, %mul3A_133 : vector<64x512xf32>
      %eq3A = arith.constant 0 : i32
      %eq3A_134 = vector.broadcast %eq3A : i32 to vector<64x512xi32>
      %eq3A_135 = arith.cmpi eq, %get3A_129, %eq3A_134 : vector<64x512xi32>
      %jit3A = arith.constant 0.000000e+00 : f32
      %broadcast_in_dim3A_136 = vector.broadcast %jit3A : f32 to vector<64x512xf32>
      %select_n3A = arith.select %eq3A_135, %div3A, %broadcast_in_dim3A_136 : vector<64x512xi1>, vector<64x512xf32>
      %slice3A = vector.extract_strided_slice %select_n3A {offsets = [0, 0], sizes = [8, 512], strides = [1, 1]} : vector<64x512xf32> to vector<8x512xf32>
      %slice3A_137 = vector.extract_strided_slice %select_n3A {offsets = [8, 0], sizes = [8, 512], strides = [1, 1]} : vector<64x512xf32> to vector<8x512xf32>
      %add3A_138 = arith.addf %slice3A, %slice3A_137 : vector<8x512xf32>
      %slice3A_139 = vector.extract_strided_slice %select_n3A {offsets = [16, 0], sizes = [8, 512], strides = [1, 1]} : vector<64x512xf32> to vector<8x512xf32>
      %add3A_140 = arith.addf %add3A_138, %slice3A_139 : vector<8x512xf32>
      %slice3A_141 = vector.extract_strided_slice %select_n3A {offsets = [24, 0], sizes = [8, 512], strides = [1, 1]} : vector<64x512xf32> to vector<8x512xf32>
      %add3A_142 = arith.addf %add3A_140, %slice3A_141 : vector<8x512xf32>
      %slice3A_143 = vector.extract_strided_slice %select_n3A {offsets = [32, 0], sizes = [8, 512], strides = [1, 1]} : vector<64x512xf32> to vector<8x512xf32>
      %add3A_144 = arith.addf %add3A_142, %slice3A_143 : vector<8x512xf32>
      %slice3A_145 = vector.extract_strided_slice %select_n3A {offsets = [40, 0], sizes = [8, 512], strides = [1, 1]} : vector<64x512xf32> to vector<8x512xf32>
      %add3A_146 = arith.addf %add3A_144, %slice3A_145 : vector<8x512xf32>
      %slice3A_147 = vector.extract_strided_slice %select_n3A {offsets = [48, 0], sizes = [8, 512], strides = [1, 1]} : vector<64x512xf32> to vector<8x512xf32>
      %add3A_148 = arith.addf %add3A_146, %slice3A_147 : vector<8x512xf32>
      %slice3A_149 = vector.extract_strided_slice %select_n3A {offsets = [56, 0], sizes = [8, 512], strides = [1, 1]} : vector<64x512xf32> to vector<8x512xf32>
      %add3A_150 = arith.addf %add3A_148, %slice3A_149 : vector<8x512xf32>
      %slice3A_151 = vector.extract_strided_slice %add3A_150 {offsets = [0, 0], sizes = [8, 128], strides = [1, 1]} : vector<8x512xf32> to vector<8x128xf32>
      %slice3A_152 = vector.extract_strided_slice %add3A_150 {offsets = [0, 128], sizes = [8, 128], strides = [1, 1]} : vector<8x512xf32> to vector<8x128xf32>
      %add3A_153 = arith.addf %slice3A_151, %slice3A_152 : vector<8x128xf32>
      %slice3A_154 = vector.extract_strided_slice %add3A_150 {offsets = [0, 256], sizes = [8, 128], strides = [1, 1]} : vector<8x512xf32> to vector<8x128xf32>
      %add3A_155 = arith.addf %add3A_153, %slice3A_154 : vector<8x128xf32>
      %slice3A_156 = vector.extract_strided_slice %add3A_150 {offsets = [0, 384], sizes = [8, 128], strides = [1, 1]} : vector<8x512xf32> to vector<8x128xf32>
      %add3A_157 = arith.addf %add3A_155, %slice3A_156 : vector<8x128xf32>
      %get3A_158 = arith.constant 0 : index
      %get3A_159 = arith.constant 0 : index
      %get3A_160 = arith.constant 0 : index
      %get3A_161 = vector.load %arg2[%get3A_158, %get3A_159, %get3A_160] : memref<21x8x128xf32, #tpu.memory_space<vmem>>, vector<1x8x128xf32>
      %get3A_162 = vector.shape_cast %get3A_161 : vector<1x8x128xf32> to vector<8x128xf32>
      %add3A_163 = arith.addf %get3A_162, %add3A_157 : vector<8x128xf32>
      %swap3A_164 = arith.constant 0 : index
      %swap3A_165 = arith.constant 0 : index
      %swap3A_166 = arith.constant 0 : index
      %swap3A_167 = vector.load %arg2[%swap3A_164, %swap3A_165, %swap3A_166] : memref<21x8x128xf32, #tpu.memory_space<vmem>>, vector<1x8x128xf32>
      %swap3A_168 = vector.shape_cast %swap3A_167 : vector<1x8x128xf32> to vector<8x128xf32>
      %swap3A_169 = vector.shape_cast %add3A_163 : vector<8x128xf32> to vector<1x8x128xf32>
      tpu.vector_store %arg2[%swap3A_164, %swap3A_165, %swap3A_166], %swap3A_169 {strides = array<i32>} : memref<21x8x128xf32, #tpu.memory_space<vmem>>, vector<1x8x128xf32>,
      %eq3A_170 = arith.constant 1 : i32
      %eq3A_171 = vector.broadcast %eq3A_170 : i32 to vector<64x512xi32>
      %eq3A_172 = arith.cmpi eq, %get3A_129, %eq3A_171 : vector<64x512xi32>
      %jit3A_173 = arith.constant 0.000000e+00 : f32
      %broadcast_in_dim3A_174 = vector.broadcast %jit3A_173 : f32 to vector<64x512xf32>
      %select_n3A_175 = arith.select %eq3A_172, %div3A, %broadcast_in_dim3A_174 : vector<64x512xi1>, vector<64x512xf32>
      %slice3A_176 = vector.extract_strided_slice %select_n3A_175 {offsets = [0, 0], sizes = [8, 512], strides = [1, 1]} : vector<64x512xf32> to vector<8x512xf32>
      %slice3A_177 = vector.extract_strided_slice %select_n3A_175 {offsets = [8, 0], sizes = [8, 512], strides = [1, 1]} : vector<64x512xf32> to vector<8x512xf32>
      %add3A_178 = arith.addf %slice3A_176, %slice3A_177 : vector<8x512xf32>
      %slice3A_179 = vector.extract_strided_slice %select_n3A_175 {offsets = [16, 0], sizes = [8, 512], strides = [1, 1]} : vector<64x512xf32> to vector<8x512xf32>
      %add3A_180 = arith.addf %add3A_178, %slice3A_179 : vector<8x512xf32>
      %slice3A_181 = vector.extract_strided_slice %select_n3A_175 {offsets = [24, 0], sizes = [8, 512], strides = [1, 1]} : vector<64x512xf32> to vector<8x512xf32>
      %add3A_182 = arith.addf %add3A_180, %slice3A_181 : vector<8x512xf32>
      %slice3A_183 = vector.extract_strided_slice %select_n3A_175 {offsets = [32, 0], sizes = [8, 512], strides = [1, 1]} : vector<64x512xf32> to vector<8x512xf32>
      %add3A_184 = arith.addf %add3A_182, %slice3A_183 : vector<8x512xf32>
      %slice3A_185 = vector.extract_strided_slice %select_n3A_175 {offsets = [40, 0], sizes = [8, 512], strides = [1, 1]} : vector<64x512xf32> to vector<8x512xf32>
      %add3A_186 = arith.addf %add3A_184, %slice3A_185 : vector<8x512xf32>
      %slice3A_187 = vector.extract_strided_slice %select_n3A_175 {offsets = [48, 0], sizes = [8, 512], strides = [1, 1]} : vector<64x512xf32> to vector<8x512xf32>
      %add3A_188 = arith.addf %add3A_186, %slice3A_187 : vector<8x512xf32>
      %slice3A_189 = vector.extract_strided_slice %select_n3A_175 {offsets = [56, 0], sizes = [8, 512], strides = [1, 1]} : vector<64x512xf32> to vector<8x512xf32>
      %add3A_190 = arith.addf %add3A_188, %slice3A_189 : vector<8x512xf32>
      %slice3A_191 = vector.extract_strided_slice %add3A_190 {offsets = [0, 0], sizes = [8, 128], strides = [1, 1]} : vector<8x512xf32> to vector<8x128xf32>
      %slice3A_192 = vector.extract_strided_slice %add3A_190 {offsets = [0, 128], sizes = [8, 128], strides = [1, 1]} : vector<8x512xf32> to vector<8x128xf32>
      %add3A_193 = arith.addf %slice3A_191, %slice3A_192 : vector<8x128xf32>
      %slice3A_194 = vector.extract_strided_slice %add3A_190 {offsets = [0, 256], sizes = [8, 128], strides = [1, 1]} : vector<8x512xf32> to vector<8x128xf32>
      %add3A_195 = arith.addf %add3A_193, %slice3A_194 : vector<8x128xf32>
      %slice3A_196 = vector.extract_strided_slice %add3A_190 {offsets = [0, 384], sizes = [8, 128], strides = [1, 1]} : vector<8x512xf32> to vector<8x128xf32>
      %add3A_197 = arith.addf %add3A_195, %slice3A_196 : vector<8x128xf32>
      %get3A_198 = arith.constant 1 : index
      %get3A_199 = arith.constant 0 : index
      %get3A_200 = arith.constant 0 : index
      %get3A_201 = vector.load %arg2[%get3A_198, %get3A_199, %get3A_200] : memref<21x8x128xf32, #tpu.memory_space<vmem>>, vector<1x8x128xf32>
      %get3A_202 = vector.shape_cast %get3A_201 : vector<1x8x128xf32> to vector<8x128xf32>
      %add3A_203 = arith.addf %get3A_202, %add3A_197 : vector<8x128xf32>
      %swap3A_204 = arith.constant 1 : index
      %swap3A_205 = arith.constant 0 : index
      %swap3A_206 = arith.constant 0 : index
      %swap3A_207 = vector.load %arg2[%swap3A_204, %swap3A_205, %swap3A_206] : memref<21x8x128xf32, #tpu.memory_space<vmem>>, vector<1x8x128xf32>
      %swap3A_208 = vector.shape_cast %swap3A_207 : vector<1x8x128xf32> to vector<8x128xf32>
      %swap3A_209 = vector.shape_cast %add3A_203 : vector<8x128xf32> to vector<1x8x128xf32>
      tpu.vector_store %arg2[%swap3A_204, %swap3A_205, %swap3A_206], %swap3A_209 {strides = array<i32>} : memref<21x8x128xf32, #tpu.memory_space<vmem>>, vector<1x8x128xf32>,
      %eq3A_210 = arith.constant 2 : i32
      %eq3A_211 = vector.broadcast %eq3A_210 : i32 to vector<64x512xi32>
      %eq3A_212 = arith.cmpi eq, %get3A_129, %eq3A_211 : vector<64x512xi32>
      %jit3A_213 = arith.constant 0.000000e+00 : f32
      %broadcast_in_dim3A_214 = vector.broadcast %jit3A_213 : f32 to vector<64x512xf32>
      %select_n3A_215 = arith.select %eq3A_212, %div3A, %broadcast_in_dim3A_214 : vector<64x512xi1>, vector<64x512xf32>
      %slice3A_216 = vector.extract_strided_slice %select_n3A_215 {offsets = [0, 0], sizes = [8, 512], strides = [1, 1]} : vector<64x512xf32> to vector<8x512xf32>
      %slice3A_217 = vector.extract_strided_slice %select_n3A_215 {offsets = [8, 0], sizes = [8, 512], strides = [1, 1]} : vector<64x512xf32> to vector<8x512xf32>
      %add3A_218 = arith.addf %slice3A_216, %slice3A_217 : vector<8x512xf32>
      %slice3A_219 = vector.extract_strided_slice %select_n3A_215 {offsets = [16, 0], sizes = [8, 512], strides = [1, 1]} : vector<64x512xf32> to vector<8x512xf32>
      %add3A_220 = arith.addf %add3A_218, %slice3A_219 : vector<8x512xf32>
      %slice3A_221 = vector.extract_strided_slice %select_n3A_215 {offsets = [24, 0], sizes = [8, 512], strides = [1, 1]} : vector<64x512xf32> to vector<8x512xf32>
      %add3A_222 = arith.addf %add3A_220, %slice3A_221 : vector<8x512xf32>
      %slice3A_223 = vector.extract_strided_slice %select_n3A_215 {offsets = [32, 0], sizes = [8, 512], strides = [1, 1]} : vector<64x512xf32> to vector<8x512xf32>
      %add3A_224 = arith.addf %add3A_222, %slice3A_223 : vector<8x512xf32>
      %slice3A_225 = vector.extract_strided_slice %select_n3A_215 {offsets = [40, 0], sizes = [8, 512], strides = [1, 1]} : vector<64x512xf32> to vector<8x512xf32>
      %add3A_226 = arith.addf %add3A_224, %slice3A_225 : vector<8x512xf32>
      %slice3A_227 = vector.extract_strided_slice %select_n3A_215 {offsets = [48, 0], sizes = [8, 512], strides = [1, 1]} : vector<64x512xf32> to vector<8x512xf32>
      %add3A_228 = arith.addf %add3A_226, %slice3A_227 : vector<8x512xf32>
      %slice3A_229 = vector.extract_strided_slice %select_n3A_215 {offsets = [56, 0], sizes = [8, 512], strides = [1, 1]} : vector<64x512xf32> to vector<8x512xf32>
      %add3A_230 = arith.addf %add3A_228, %slice3A_229 : vector<8x512xf32>
      %slice3A_231 = vector.extract_strided_slice %add3A_230 {offsets = [0, 0], sizes = [8, 128], strides = [1, 1]} : vector<8x512xf32> to vector<8x128xf32>
      %slice3A_232 = vector.extract_strided_slice %add3A_230 {offsets = [0, 128], sizes = [8, 128], strides = [1, 1]} : vector<8x512xf32> to vector<8x128xf32>
      %add3A_233 = arith.addf %slice3A_231, %slice3A_232 : vector<8x128xf32>
      %slice3A_234 = vector.extract_strided_slice %add3A_230 {offsets = [0, 256], sizes = [8, 128], strides = [1, 1]} : vector<8x512xf32> to vector<8x128xf32>
      %add3A_235 = arith.addf %add3A_233, %slice3A_234 : vector<8x128xf32>
      %slice3A_236 = vector.extract_strided_slice %add3A_230 {offsets = [0, 384], sizes = [8, 128], strides = [1, 1]} : vector<8x512xf32> to vector<8x128xf32>
      %add3A_237 = arith.addf %add3A_235, %slice3A_236 : vector<8x128xf32>
      %get3A_238 = arith.constant 2 : index
      %get3A_239 = arith.constant 0 : index
      %get3A_240 = arith.constant 0 : index
      %get3A_241 = vector.load %arg2[%get3A_238, %get3A_239, %get3A_240] : memref<21x8x128xf32, #tpu.memory_space<vmem>>, vector<1x8x128xf32>
      %get3A_242 = vector.shape_cast %get3A_241 : vector<1x8x128xf32> to vector<8x128xf32>
      %add3A_243 = arith.addf %get3A_242, %add3A_237 : vector<8x128xf32>
      %swap3A_244 = arith.constant 2 : index
      %swap3A_245 = arith.constant 0 : index
      %swap3A_246 = arith.constant 0 : index
      %swap3A_247 = vector.load %arg2[%swap3A_244, %swap3A_245, %swap3A_246] : memref<21x8x128xf32, #tpu.memory_space<vmem>>, vector<1x8x128xf32>
      %swap3A_248 = vector.shape_cast %swap3A_247 : vector<1x8x128xf32> to vector<8x128xf32>
      %swap3A_249 = vector.shape_cast %add3A_243 : vector<8x128xf32> to vector<1x8x128xf32>
      tpu.vector_store %arg2[%swap3A_244, %swap3A_245, %swap3A_246], %swap3A_249 {strides = array<i32>} : memref<21x8x128xf32, #tpu.memory_space<vmem>>, vector<1x8x128xf32>,
      %eq3A_250 = arith.constant 3 : i32
      %eq3A_251 = vector.broadcast %eq3A_250 : i32 to vector<64x512xi32>
      %eq3A_252 = arith.cmpi eq, %get3A_129, %eq3A_251 : vector<64x512xi32>
      %jit3A_253 = arith.constant 0.000000e+00 : f32
      %broadcast_in_dim3A_254 = vector.broadcast %jit3A_253 : f32 to vector<64x512xf32>
      %select_n3A_255 = arith.select %eq3A_252, %div3A, %broadcast_in_dim3A_254 : vector<64x512xi1>, vector<64x512xf32>
      %slice3A_256 = vector.extract_strided_slice %select_n3A_255 {offsets = [0, 0], sizes = [8, 512], strides = [1, 1]} : vector<64x512xf32> to vector<8x512xf32>
      %slice3A_257 = vector.extract_strided_slice %select_n3A_255 {offsets = [8, 0], sizes = [8, 512], strides = [1, 1]} : vector<64x512xf32> to vector<8x512xf32>
      %add3A_258 = arith.addf %slice3A_256, %slice3A_257 : vector<8x512xf32>
      %slice3A_259 = vector.extract_strided_slice %select_n3A_255 {offsets = [16, 0], sizes = [8, 512], strides = [1, 1]} : vector<64x512xf32> to vector<8x512xf32>
      %add3A_260 = arith.addf %add3A_258, %slice3A_259 : vector<8x512xf32>
      %slice3A_261 = vector.extract_strided_slice %select_n3A_255 {offsets = [24, 0], sizes = [8, 512], strides = [1, 1]} : vector<64x512xf32> to vector<8x512xf32>
      %add3A_262 = arith.addf %add3A_260, %slice3A_261 : vector<8x512xf32>
      %slice3A_263 = vector.extract_strided_slice %select_n3A_255 {offsets = [32, 0], sizes = [8, 512], strides = [1, 1]} : vector<64x512xf32> to vector<8x512xf32>
      %add3A_264 = arith.addf %add3A_262, %slice3A_263 : vector<8x512xf32>
      %slice3A_265 = vector.extract_strided_slice %select_n3A_255 {offsets = [40, 0], sizes = [8, 512], strides = [1, 1]} : vector<64x512xf32> to vector<8x512xf32>
      %add3A_266 = arith.addf %add3A_264, %slice3A_265 : vector<8x512xf32>
      %slice3A_267 = vector.extract_strided_slice %select_n3A_255 {offsets = [48, 0], sizes = [8, 512], strides = [1, 1]} : vector<64x512xf32> to vector<8x512xf32>
      %add3A_268 = arith.addf %add3A_266, %slice3A_267 : vector<8x512xf32>
      %slice3A_269 = vector.extract_strided_slice %select_n3A_255 {offsets = [56, 0], sizes = [8, 512], strides = [1, 1]} : vector<64x512xf32> to vector<8x512xf32>
      %add3A_270 = arith.addf %add3A_268, %slice3A_269 : vector<8x512xf32>
      %slice3A_271 = vector.extract_strided_slice %add3A_270 {offsets = [0, 0], sizes = [8, 128], strides = [1, 1]} : vector<8x512xf32> to vector<8x128xf32>
      %slice3A_272 = vector.extract_strided_slice %add3A_270 {offsets = [0, 128], sizes = [8, 128], strides = [1, 1]} : vector<8x512xf32> to vector<8x128xf32>
      %add3A_273 = arith.addf %slice3A_271, %slice3A_272 : vector<8x128xf32>
      %slice3A_274 = vector.extract_strided_slice %add3A_270 {offsets = [0, 256], sizes = [8, 128], strides = [1, 1]} : vector<8x512xf32> to vector<8x128xf32>
      %add3A_275 = arith.addf %add3A_273, %slice3A_274 : vector<8x128xf32>
      %slice3A_276 = vector.extract_strided_slice %add3A_270 {offsets = [0, 384], sizes = [8, 128], strides = [1, 1]} : vector<8x512xf32> to vector<8x128xf32>
      %add3A_277 = arith.addf %add3A_275, %slice3A_276 : vector<8x128xf32>
      %get3A_278 = arith.constant 3 : index
      %get3A_279 = arith.constant 0 : index
      %get3A_280 = arith.constant 0 : index
      %get3A_281 = vector.load %arg2[%get3A_278, %get3A_279, %get3A_280] : memref<21x8x128xf32, #tpu.memory_space<vmem>>, vector<1x8x128xf32>
      %get3A_282 = vector.shape_cast %get3A_281 : vector<1x8x128xf32> to vector<8x128xf32>
      %add3A_283 = arith.addf %get3A_282, %add3A_277 : vector<8x128xf32>
      %swap3A_284 = arith.constant 3 : index
      %swap3A_285 = arith.constant 0 : index
      %swap3A_286 = arith.constant 0 : index
      %swap3A_287 = vector.load %arg2[%swap3A_284, %swap3A_285, %swap3A_286] : memref<21x8x128xf32, #tpu.memory_space<vmem>>, vector<1x8x128xf32>
      %swap3A_288 = vector.shape_cast %swap3A_287 : vector<1x8x128xf32> to vector<8x128xf32>
      %swap3A_289 = vector.shape_cast %add3A_283 : vector<8x128xf32> to vector<1x8x128xf32>
      tpu.vector_store %arg2[%swap3A_284, %swap3A_285, %swap3A_286], %swap3A_289 {strides = array<i32>} : memref<21x8x128xf32, #tpu.memory_space<vmem>>, vector<1x8x128xf32>,
      %eq3A_290 = arith.constant 4 : i32
      %eq3A_291 = vector.broadcast %eq3A_290 : i32 to vector<64x512xi32>
      %eq3A_292 = arith.cmpi eq, %get3A_129, %eq3A_291 : vector<64x512xi32>
      %jit3A_293 = arith.constant 0.000000e+00 : f32
      %broadcast_in_dim3A_294 = vector.broadcast %jit3A_293 : f32 to vector<64x512xf32>
      %select_n3A_295 = arith.select %eq3A_292, %div3A, %broadcast_in_dim3A_294 : vector<64x512xi1>, vector<64x512xf32>
      %slice3A_296 = vector.extract_strided_slice %select_n3A_295 {offsets = [0, 0], sizes = [8, 512], strides = [1, 1]} : vector<64x512xf32> to vector<8x512xf32>
      %slice3A_297 = vector.extract_strided_slice %select_n3A_295 {offsets = [8, 0], sizes = [8, 512], strides = [1, 1]} : vector<64x512xf32> to vector<8x512xf32>
      %add3A_298 = arith.addf %slice3A_296, %slice3A_297 : vector<8x512xf32>
      %slice3A_299 = vector.extract_strided_slice %select_n3A_295 {offsets = [16, 0], sizes = [8, 512], strides = [1, 1]} : vector<64x512xf32> to vector<8x512xf32>
      %add3A_300 = arith.addf %add3A_298, %slice3A_299 : vector<8x512xf32>
      %slice3A_301 = vector.extract_strided_slice %select_n3A_295 {offsets = [24, 0], sizes = [8, 512], strides = [1, 1]} : vector<64x512xf32> to vector<8x512xf32>
      %add3A_302 = arith.addf %add3A_300, %slice3A_301 : vector<8x512xf32>
      %slice3A_303 = vector.extract_strided_slice %select_n3A_295 {offsets = [32, 0], sizes = [8, 512], strides = [1, 1]} : vector<64x512xf32> to vector<8x512xf32>
      %add3A_304 = arith.addf %add3A_302, %slice3A_303 : vector<8x512xf32>
      %slice3A_305 = vector.extract_strided_slice %select_n3A_295 {offsets = [40, 0], sizes = [8, 512], strides = [1, 1]} : vector<64x512xf32> to vector<8x512xf32>
      %add3A_306 = arith.addf %add3A_304, %slice3A_305 : vector<8x512xf32>
      %slice3A_307 = vector.extract_strided_slice %select_n3A_295 {offsets = [48, 0], sizes = [8, 512], strides = [1, 1]} : vector<64x512xf32> to vector<8x512xf32>
      %add3A_308 = arith.addf %add3A_306, %slice3A_307 : vector<8x512xf32>
      %slice3A_309 = vector.extract_strided_slice %select_n3A_295 {offsets = [56, 0], sizes = [8, 512], strides = [1, 1]} : vector<64x512xf32> to vector<8x512xf32>
      %add3A_310 = arith.addf %add3A_308, %slice3A_309 : vector<8x512xf32>
      %slice3A_311 = vector.extract_strided_slice %add3A_310 {offsets = [0, 0], sizes = [8, 128], strides = [1, 1]} : vector<8x512xf32> to vector<8x128xf32>
      %slice3A_312 = vector.extract_strided_slice %add3A_310 {offsets = [0, 128], sizes = [8, 128], strides = [1, 1]} : vector<8x512xf32> to vector<8x128xf32>
      %add3A_313 = arith.addf %slice3A_311, %slice3A_312 : vector<8x128xf32>
      %slice3A_314 = vector.extract_strided_slice %add3A_310 {offsets = [0, 256], sizes = [8, 128], strides = [1, 1]} : vector<8x512xf32> to vector<8x128xf32>
      %add3A_315 = arith.addf %add3A_313, %slice3A_314 : vector<8x128xf32>
      %slice3A_316 = vector.extract_strided_slice %add3A_310 {offsets = [0, 384], sizes = [8, 128], strides = [1, 1]} : vector<8x512xf32> to vector<8x128xf32>
      %add3A_317 = arith.addf %add3A_315, %slice3A_316 : vector<8x128xf32>
      %get3A_318 = arith.constant 4 : index
      %get3A_319 = arith.constant 0 : index
      %get3A_320 = arith.constant 0 : index
      %get3A_321 = vector.load %arg2[%get3A_318, %get3A_319, %get3A_320] : memref<21x8x128xf32, #tpu.memory_space<vmem>>, vector<1x8x128xf32>
      %get3A_322 = vector.shape_cast %get3A_321 : vector<1x8x128xf32> to vector<8x128xf32>
      %add3A_323 = arith.addf %get3A_322, %add3A_317 : vector<8x128xf32>
      %swap3A_324 = arith.constant 4 : index
      %swap3A_325 = arith.constant 0 : index
      %swap3A_326 = arith.constant 0 : index
      %swap3A_327 = vector.load %arg2[%swap3A_324, %swap3A_325, %swap3A_326] : memref<21x8x128xf32, #tpu.memory_space<vmem>>, vector<1x8x128xf32>
      %swap3A_328 = vector.shape_cast %swap3A_327 : vector<1x8x128xf32> to vector<8x128xf32>
      %swap3A_329 = vector.shape_cast %add3A_323 : vector<8x128xf32> to vector<1x8x128xf32>
      tpu.vector_store %arg2[%swap3A_324, %swap3A_325, %swap3A_326], %swap3A_329 {strides = array<i32>} : memref<21x8x128xf32, #tpu.memory_space<vmem>>, vector<1x8x128xf32>,
      %eq3A_330 = arith.constant 5 : i32
      %eq3A_331 = vector.broadcast %eq3A_330 : i32 to vector<64x512xi32>
      %eq3A_332 = arith.cmpi eq, %get3A_129, %eq3A_331 : vector<64x512xi32>
      %jit3A_333 = arith.constant 0.000000e+00 : f32
      %broadcast_in_dim3A_334 = vector.broadcast %jit3A_333 : f32 to vector<64x512xf32>
      %select_n3A_335 = arith.select %eq3A_332, %div3A, %broadcast_in_dim3A_334 : vector<64x512xi1>, vector<64x512xf32>
      %slice3A_336 = vector.extract_strided_slice %select_n3A_335 {offsets = [0, 0], sizes = [8, 512], strides = [1, 1]} : vector<64x512xf32> to vector<8x512xf32>
      %slice3A_337 = vector.extract_strided_slice %select_n3A_335 {offsets = [8, 0], sizes = [8, 512], strides = [1, 1]} : vector<64x512xf32> to vector<8x512xf32>
      %add3A_338 = arith.addf %slice3A_336, %slice3A_337 : vector<8x512xf32>
      %slice3A_339 = vector.extract_strided_slice %select_n3A_335 {offsets = [16, 0], sizes = [8, 512], strides = [1, 1]} : vector<64x512xf32> to vector<8x512xf32>
      %add3A_340 = arith.addf %add3A_338, %slice3A_339 : vector<8x512xf32>
      %slice3A_341 = vector.extract_strided_slice %select_n3A_335 {offsets = [24, 0], sizes = [8, 512], strides = [1, 1]} : vector<64x512xf32> to vector<8x512xf32>
      %add3A_342 = arith.addf %add3A_340, %slice3A_341 : vector<8x512xf32>
      %slice3A_343 = vector.extract_strided_slice %select_n3A_335 {offsets = [32, 0], sizes = [8, 512], strides = [1, 1]} : vector<64x512xf32> to vector<8x512xf32>
      %add3A_344 = arith.addf %add3A_342, %slice3A_343 : vector<8x512xf32>
      %slice3A_345 = vector.extract_strided_slice %select_n3A_335 {offsets = [40, 0], sizes = [8, 512], strides = [1, 1]} : vector<64x512xf32> to vector<8x512xf32>
      %add3A_346 = arith.addf %add3A_344, %slice3A_345 : vector<8x512xf32>
      %slice3A_347 = vector.extract_strided_slice %select_n3A_335 {offsets = [48, 0], sizes = [8, 512], strides = [1, 1]} : vector<64x512xf32> to vector<8x512xf32>
      %add3A_348 = arith.addf %add3A_346, %slice3A_347 : vector<8x512xf32>
      %slice3A_349 = vector.extract_strided_slice %select_n3A_335 {offsets = [56, 0], sizes = [8, 512], strides = [1, 1]} : vector<64x512xf32> to vector<8x512xf32>
      %add3A_350 = arith.addf %add3A_348, %slice3A_349 : vector<8x512xf32>
      %slice3A_351 = vector.extract_strided_slice %add3A_350 {offsets = [0, 0], sizes = [8, 128], strides = [1, 1]} : vector<8x512xf32> to vector<8x128xf32>
      %slice3A_352 = vector.extract_strided_slice %add3A_350 {offsets = [0, 128], sizes = [8, 128], strides = [1, 1]} : vector<8x512xf32> to vector<8x128xf32>
      %add3A_353 = arith.addf %slice3A_351, %slice3A_352 : vector<8x128xf32>
      %slice3A_354 = vector.extract_strided_slice %add3A_350 {offsets = [0, 256], sizes = [8, 128], strides = [1, 1]} : vector<8x512xf32> to vector<8x128xf32>
      %add3A_355 = arith.addf %add3A_353, %slice3A_354 : vector<8x128xf32>
      %slice3A_356 = vector.extract_strided_slice %add3A_350 {offsets = [0, 384], sizes = [8, 128], strides = [1, 1]} : vector<8x512xf32> to vector<8x128xf32>
      %add3A_357 = arith.addf %add3A_355, %slice3A_356 : vector<8x128xf32>
      %get3A_358 = arith.constant 5 : index
      %get3A_359 = arith.constant 0 : index
      %get3A_360 = arith.constant 0 : index
      %get3A_361 = vector.load %arg2[%get3A_358, %get3A_359, %get3A_360] : memref<21x8x128xf32, #tpu.memory_space<vmem>>, vector<1x8x128xf32>
      %get3A_362 = vector.shape_cast %get3A_361 : vector<1x8x128xf32> to vector<8x128xf32>
      %add3A_363 = arith.addf %get3A_362, %add3A_357 : vector<8x128xf32>
      %swap3A_364 = arith.constant 5 : index
      %swap3A_365 = arith.constant 0 : index
      %swap3A_366 = arith.constant 0 : index
      %swap3A_367 = vector.load %arg2[%swap3A_364, %swap3A_365, %swap3A_366] : memref<21x8x128xf32, #tpu.memory_space<vmem>>, vector<1x8x128xf32>
      %swap3A_368 = vector.shape_cast %swap3A_367 : vector<1x8x128xf32> to vector<8x128xf32>
      %swap3A_369 = vector.shape_cast %add3A_363 : vector<8x128xf32> to vector<1x8x128xf32>
      tpu.vector_store %arg2[%swap3A_364, %swap3A_365, %swap3A_366], %swap3A_369 {strides = array<i32>} : memref<21x8x128xf32, #tpu.memory_space<vmem>>, vector<1x8x128xf32>,
      %eq3A_370 = arith.constant 6 : i32
      %eq3A_371 = vector.broadcast %eq3A_370 : i32 to vector<64x512xi32>
      %eq3A_372 = arith.cmpi eq, %get3A_129, %eq3A_371 : vector<64x512xi32>
      %jit3A_373 = arith.constant 0.000000e+00 : f32
      %broadcast_in_dim3A_374 = vector.broadcast %jit3A_373 : f32 to vector<64x512xf32>
      %select_n3A_375 = arith.select %eq3A_372, %div3A, %broadcast_in_dim3A_374 : vector<64x512xi1>, vector<64x512xf32>
      %slice3A_376 = vector.extract_strided_slice %select_n3A_375 {offsets = [0, 0], sizes = [8, 512], strides = [1, 1]} : vector<64x512xf32> to vector<8x512xf32>
      %slice3A_377 = vector.extract_strided_slice %select_n3A_375 {offsets = [8, 0], sizes = [8, 512], strides = [1, 1]} : vector<64x512xf32> to vector<8x512xf32>
      %add3A_378 = arith.addf %slice3A_376, %slice3A_377 : vector<8x512xf32>
      %slice3A_379 = vector.extract_strided_slice %select_n3A_375 {offsets = [16, 0], sizes = [8, 512], strides = [1, 1]} : vector<64x512xf32> to vector<8x512xf32>
      %add3A_380 = arith.addf %add3A_378, %slice3A_379 : vector<8x512xf32>
      %slice3A_381 = vector.extract_strided_slice %select_n3A_375 {offsets = [24, 0], sizes = [8, 512], strides = [1, 1]} : vector<64x512xf32> to vector<8x512xf32>
      %add3A_382 = arith.addf %add3A_380, %slice3A_381 : vector<8x512xf32>
      %slice3A_383 = vector.extract_strided_slice %select_n3A_375 {offsets = [32, 0], sizes = [8, 512], strides = [1, 1]} : vector<64x512xf32> to vector<8x512xf32>
      %add3A_384 = arith.addf %add3A_382, %slice3A_383 : vector<8x512xf32>
      %slice3A_385 = vector.extract_strided_slice %select_n3A_375 {offsets = [40, 0], sizes = [8, 512], strides = [1, 1]} : vector<64x512xf32> to vector<8x512xf32>
      %add3A_386 = arith.addf %add3A_384, %slice3A_385 : vector<8x512xf32>
      %slice3A_387 = vector.extract_strided_slice %select_n3A_375 {offsets = [48, 0], sizes = [8, 512], strides = [1, 1]} : vector<64x512xf32> to vector<8x512xf32>
      %add3A_388 = arith.addf %add3A_386, %slice3A_387 : vector<8x512xf32>
      %slice3A_389 = vector.extract_strided_slice %select_n3A_375 {offsets = [56, 0], sizes = [8, 512], strides = [1, 1]} : vector<64x512xf32> to vector<8x512xf32>
      %add3A_390 = arith.addf %add3A_388, %slice3A_389 : vector<8x512xf32>
      %slice3A_391 = vector.extract_strided_slice %add3A_390 {offsets = [0, 0], sizes = [8, 128], strides = [1, 1]} : vector<8x512xf32> to vector<8x128xf32>
      %slice3A_392 = vector.extract_strided_slice %add3A_390 {offsets = [0, 128], sizes = [8, 128], strides = [1, 1]} : vector<8x512xf32> to vector<8x128xf32>
      %add3A_393 = arith.addf %slice3A_391, %slice3A_392 : vector<8x128xf32>
      %slice3A_394 = vector.extract_strided_slice %add3A_390 {offsets = [0, 256], sizes = [8, 128], strides = [1, 1]} : vector<8x512xf32> to vector<8x128xf32>
      %add3A_395 = arith.addf %add3A_393, %slice3A_394 : vector<8x128xf32>
      %slice3A_396 = vector.extract_strided_slice %add3A_390 {offsets = [0, 384], sizes = [8, 128], strides = [1, 1]} : vector<8x512xf32> to vector<8x128xf32>
      %add3A_397 = arith.addf %add3A_395, %slice3A_396 : vector<8x128xf32>
      %get3A_398 = arith.constant 6 : index
      %get3A_399 = arith.constant 0 : index
      %get3A_400 = arith.constant 0 : index
      %get3A_401 = vector.load %arg2[%get3A_398, %get3A_399, %get3A_400] : memref<21x8x128xf32, #tpu.memory_space<vmem>>, vector<1x8x128xf32>
      %get3A_402 = vector.shape_cast %get3A_401 : vector<1x8x128xf32> to vector<8x128xf32>
      %add3A_403 = arith.addf %get3A_402, %add3A_397 : vector<8x128xf32>
      %swap3A_404 = arith.constant 6 : index
      %swap3A_405 = arith.constant 0 : index
      %swap3A_406 = arith.constant 0 : index
      %swap3A_407 = vector.load %arg2[%swap3A_404, %swap3A_405, %swap3A_406] : memref<21x8x128xf32, #tpu.memory_space<vmem>>, vector<1x8x128xf32>
      %swap3A_408 = vector.shape_cast %swap3A_407 : vector<1x8x128xf32> to vector<8x128xf32>
      %swap3A_409 = vector.shape_cast %add3A_403 : vector<8x128xf32> to vector<1x8x128xf32>
      tpu.vector_store %arg2[%swap3A_404, %swap3A_405, %swap3A_406], %swap3A_409 {strides = array<i32>} : memref<21x8x128xf32, #tpu.memory_space<vmem>>, vector<1x8x128xf32>,
      %eq3A_410 = arith.constant 7 : i32
      %eq3A_411 = vector.broadcast %eq3A_410 : i32 to vector<64x512xi32>
      %eq3A_412 = arith.cmpi eq, %get3A_129, %eq3A_411 : vector<64x512xi32>
      %jit3A_413 = arith.constant 0.000000e+00 : f32
      %broadcast_in_dim3A_414 = vector.broadcast %jit3A_413 : f32 to vector<64x512xf32>
      %select_n3A_415 = arith.select %eq3A_412, %div3A, %broadcast_in_dim3A_414 : vector<64x512xi1>, vector<64x512xf32>
      %slice3A_416 = vector.extract_strided_slice %select_n3A_415 {offsets = [0, 0], sizes = [8, 512], strides = [1, 1]} : vector<64x512xf32> to vector<8x512xf32>
      %slice3A_417 = vector.extract_strided_slice %select_n3A_415 {offsets = [8, 0], sizes = [8, 512], strides = [1, 1]} : vector<64x512xf32> to vector<8x512xf32>
      %add3A_418 = arith.addf %slice3A_416, %slice3A_417 : vector<8x512xf32>
      %slice3A_419 = vector.extract_strided_slice %select_n3A_415 {offsets = [16, 0], sizes = [8, 512], strides = [1, 1]} : vector<64x512xf32> to vector<8x512xf32>
      %add3A_420 = arith.addf %add3A_418, %slice3A_419 : vector<8x512xf32>
      %slice3A_421 = vector.extract_strided_slice %select_n3A_415 {offsets = [24, 0], sizes = [8, 512], strides = [1, 1]} : vector<64x512xf32> to vector<8x512xf32>
      %add3A_422 = arith.addf %add3A_420, %slice3A_421 : vector<8x512xf32>
      %slice3A_423 = vector.extract_strided_slice %select_n3A_415 {offsets = [32, 0], sizes = [8, 512], strides = [1, 1]} : vector<64x512xf32> to vector<8x512xf32>
      %add3A_424 = arith.addf %add3A_422, %slice3A_423 : vector<8x512xf32>
      %slice3A_425 = vector.extract_strided_slice %select_n3A_415 {offsets = [40, 0], sizes = [8, 512], strides = [1, 1]} : vector<64x512xf32> to vector<8x512xf32>
      %add3A_426 = arith.addf %add3A_424, %slice3A_425 : vector<8x512xf32>
      %slice3A_427 = vector.extract_strided_slice %select_n3A_415 {offsets = [48, 0], sizes = [8, 512], strides = [1, 1]} : vector<64x512xf32> to vector<8x512xf32>
      %add3A_428 = arith.addf %add3A_426, %slice3A_427 : vector<8x512xf32>
      %slice3A_429 = vector.extract_strided_slice %select_n3A_415 {offsets = [56, 0], sizes = [8, 512], strides = [1, 1]} : vector<64x512xf32> to vector<8x512xf32>
      %add3A_430 = arith.addf %add3A_428, %slice3A_429 : vector<8x512xf32>
      %slice3A_431 = vector.extract_strided_slice %add3A_430 {offsets = [0, 0], sizes = [8, 128], strides = [1, 1]} : vector<8x512xf32> to vector<8x128xf32>
      %slice3A_432 = vector.extract_strided_slice %add3A_430 {offsets = [0, 128], sizes = [8, 128], strides = [1, 1]} : vector<8x512xf32> to vector<8x128xf32>
      %add3A_433 = arith.addf %slice3A_431, %slice3A_432 : vector<8x128xf32>
      %slice3A_434 = vector.extract_strided_slice %add3A_430 {offsets = [0, 256], sizes = [8, 128], strides = [1, 1]} : vector<8x512xf32> to vector<8x128xf32>
      %add3A_435 = arith.addf %add3A_433, %slice3A_434 : vector<8x128xf32>
      %slice3A_436 = vector.extract_strided_slice %add3A_430 {offsets = [0, 384], sizes = [8, 128], strides = [1, 1]} : vector<8x512xf32> to vector<8x128xf32>
      %add3A_437 = arith.addf %add3A_435, %slice3A_436 : vector<8x128xf32>
      %get3A_438 = arith.constant 7 : index
      %get3A_439 = arith.constant 0 : index
      %get3A_440 = arith.constant 0 : index
      %get3A_441 = vector.load %arg2[%get3A_438, %get3A_439, %get3A_440] : memref<21x8x128xf32, #tpu.memory_space<vmem>>, vector<1x8x128xf32>
      %get3A_442 = vector.shape_cast %get3A_441 : vector<1x8x128xf32> to vector<8x128xf32>
      %add3A_443 = arith.addf %get3A_442, %add3A_437 : vector<8x128xf32>
      %swap3A_444 = arith.constant 7 : index
      %swap3A_445 = arith.constant 0 : index
      %swap3A_446 = arith.constant 0 : index
      %swap3A_447 = vector.load %arg2[%swap3A_444, %swap3A_445, %swap3A_446] : memref<21x8x128xf32, #tpu.memory_space<vmem>>, vector<1x8x128xf32>
      %swap3A_448 = vector.shape_cast %swap3A_447 : vector<1x8x128xf32> to vector<8x128xf32>
      %swap3A_449 = vector.shape_cast %add3A_443 : vector<8x128xf32> to vector<1x8x128xf32>
      tpu.vector_store %arg2[%swap3A_444, %swap3A_445, %swap3A_446], %swap3A_449 {strides = array<i32>} : memref<21x8x128xf32, #tpu.memory_space<vmem>>, vector<1x8x128xf32>,
      %eq3A_450 = arith.constant 8 : i32
      %eq3A_451 = vector.broadcast %eq3A_450 : i32 to vector<64x512xi32>
      %eq3A_452 = arith.cmpi eq, %get3A_129, %eq3A_451 : vector<64x512xi32>
      %jit3A_453 = arith.constant 0.000000e+00 : f32
      %broadcast_in_dim3A_454 = vector.broadcast %jit3A_453 : f32 to vector<64x512xf32>
      %select_n3A_455 = arith.select %eq3A_452, %div3A, %broadcast_in_dim3A_454 : vector<64x512xi1>, vector<64x512xf32>
      %slice3A_456 = vector.extract_strided_slice %select_n3A_455 {offsets = [0, 0], sizes = [8, 512], strides = [1, 1]} : vector<64x512xf32> to vector<8x512xf32>
      %slice3A_457 = vector.extract_strided_slice %select_n3A_455 {offsets = [8, 0], sizes = [8, 512], strides = [1, 1]} : vector<64x512xf32> to vector<8x512xf32>
      %add3A_458 = arith.addf %slice3A_456, %slice3A_457 : vector<8x512xf32>
      %slice3A_459 = vector.extract_strided_slice %select_n3A_455 {offsets = [16, 0], sizes = [8, 512], strides = [1, 1]} : vector<64x512xf32> to vector<8x512xf32>
      %add3A_460 = arith.addf %add3A_458, %slice3A_459 : vector<8x512xf32>
      %slice3A_461 = vector.extract_strided_slice %select_n3A_455 {offsets = [24, 0], sizes = [8, 512], strides = [1, 1]} : vector<64x512xf32> to vector<8x512xf32>
      %add3A_462 = arith.addf %add3A_460, %slice3A_461 : vector<8x512xf32>
      %slice3A_463 = vector.extract_strided_slice %select_n3A_455 {offsets = [32, 0], sizes = [8, 512], strides = [1, 1]} : vector<64x512xf32> to vector<8x512xf32>
      %add3A_464 = arith.addf %add3A_462, %slice3A_463 : vector<8x512xf32>
      %slice3A_465 = vector.extract_strided_slice %select_n3A_455 {offsets = [40, 0], sizes = [8, 512], strides = [1, 1]} : vector<64x512xf32> to vector<8x512xf32>
      %add3A_466 = arith.addf %add3A_464, %slice3A_465 : vector<8x512xf32>
      %slice3A_467 = vector.extract_strided_slice %select_n3A_455 {offsets = [48, 0], sizes = [8, 512], strides = [1, 1]} : vector<64x512xf32> to vector<8x512xf32>
      %add3A_468 = arith.addf %add3A_466, %slice3A_467 : vector<8x512xf32>
      %slice3A_469 = vector.extract_strided_slice %select_n3A_455 {offsets = [56, 0], sizes = [8, 512], strides = [1, 1]} : vector<64x512xf32> to vector<8x512xf32>
      %add3A_470 = arith.addf %add3A_468, %slice3A_469 : vector<8x512xf32>
      %slice3A_471 = vector.extract_strided_slice %add3A_470 {offsets = [0, 0], sizes = [8, 128], strides = [1, 1]} : vector<8x512xf32> to vector<8x128xf32>
      %slice3A_472 = vector.extract_strided_slice %add3A_470 {offsets = [0, 128], sizes = [8, 128], strides = [1, 1]} : vector<8x512xf32> to vector<8x128xf32>
      %add3A_473 = arith.addf %slice3A_471, %slice3A_472 : vector<8x128xf32>
      %slice3A_474 = vector.extract_strided_slice %add3A_470 {offsets = [0, 256], sizes = [8, 128], strides = [1, 1]} : vector<8x512xf32> to vector<8x128xf32>
      %add3A_475 = arith.addf %add3A_473, %slice3A_474 : vector<8x128xf32>
      %slice3A_476 = vector.extract_strided_slice %add3A_470 {offsets = [0, 384], sizes = [8, 128], strides = [1, 1]} : vector<8x512xf32> to vector<8x128xf32>
      %add3A_477 = arith.addf %add3A_475, %slice3A_476 : vector<8x128xf32>
      %get3A_478 = arith.constant 8 : index
      %get3A_479 = arith.constant 0 : index
      %get3A_480 = arith.constant 0 : index
      %get3A_481 = vector.load %arg2[%get3A_478, %get3A_479, %get3A_480] : memref<21x8x128xf32, #tpu.memory_space<vmem>>, vector<1x8x128xf32>
      %get3A_482 = vector.shape_cast %get3A_481 : vector<1x8x128xf32> to vector<8x128xf32>
      %add3A_483 = arith.addf %get3A_482, %add3A_477 : vector<8x128xf32>
      %swap3A_484 = arith.constant 8 : index
      %swap3A_485 = arith.constant 0 : index
      %swap3A_486 = arith.constant 0 : index
      %swap3A_487 = vector.load %arg2[%swap3A_484, %swap3A_485, %swap3A_486] : memref<21x8x128xf32, #tpu.memory_space<vmem>>, vector<1x8x128xf32>
      %swap3A_488 = vector.shape_cast %swap3A_487 : vector<1x8x128xf32> to vector<8x128xf32>
      %swap3A_489 = vector.shape_cast %add3A_483 : vector<8x128xf32> to vector<1x8x128xf32>
      tpu.vector_store %arg2[%swap3A_484, %swap3A_485, %swap3A_486], %swap3A_489 {strides = array<i32>} : memref<21x8x128xf32, #tpu.memory_space<vmem>>, vector<1x8x128xf32>,
      %eq3A_490 = arith.constant 9 : i32
      %eq3A_491 = vector.broadcast %eq3A_490 : i32 to vector<64x512xi32>
      %eq3A_492 = arith.cmpi eq, %get3A_129, %eq3A_491 : vector<64x512xi32>
      %jit3A_493 = arith.constant 0.000000e+00 : f32
      %broadcast_in_dim3A_494 = vector.broadcast %jit3A_493 : f32 to vector<64x512xf32>
      %select_n3A_495 = arith.select %eq3A_492, %div3A, %broadcast_in_dim3A_494 : vector<64x512xi1>, vector<64x512xf32>
      %slice3A_496 = vector.extract_strided_slice %select_n3A_495 {offsets = [0, 0], sizes = [8, 512], strides = [1, 1]} : vector<64x512xf32> to vector<8x512xf32>
      %slice3A_497 = vector.extract_strided_slice %select_n3A_495 {offsets = [8, 0], sizes = [8, 512], strides = [1, 1]} : vector<64x512xf32> to vector<8x512xf32>
      %add3A_498 = arith.addf %slice3A_496, %slice3A_497 : vector<8x512xf32>
      %slice3A_499 = vector.extract_strided_slice %select_n3A_495 {offsets = [16, 0], sizes = [8, 512], strides = [1, 1]} : vector<64x512xf32> to vector<8x512xf32>
      %add3A_500 = arith.addf %add3A_498, %slice3A_499 : vector<8x512xf32>
      %slice3A_501 = vector.extract_strided_slice %select_n3A_495 {offsets = [24, 0], sizes = [8, 512], strides = [1, 1]} : vector<64x512xf32> to vector<8x512xf32>
      %add3A_502 = arith.addf %add3A_500, %slice3A_501 : vector<8x512xf32>
      %slice3A_503 = vector.extract_strided_slice %select_n3A_495 {offsets = [32, 0], sizes = [8, 512], strides = [1, 1]} : vector<64x512xf32> to vector<8x512xf32>
      %add3A_504 = arith.addf %add3A_502, %slice3A_503 : vector<8x512xf32>
      %slice3A_505 = vector.extract_strided_slice %select_n3A_495 {offsets = [40, 0], sizes = [8, 512], strides = [1, 1]} : vector<64x512xf32> to vector<8x512xf32>
      %add3A_506 = arith.addf %add3A_504, %slice3A_505 : vector<8x512xf32>
      %slice3A_507 = vector.extract_strided_slice %select_n3A_495 {offsets = [48, 0], sizes = [8, 512], strides = [1, 1]} : vector<64x512xf32> to vector<8x512xf32>
      %add3A_508 = arith.addf %add3A_506, %slice3A_507 : vector<8x512xf32>
      %slice3A_509 = vector.extract_strided_slice %select_n3A_495 {offsets = [56, 0], sizes = [8, 512], strides = [1, 1]} : vector<64x512xf32> to vector<8x512xf32>
      %add3A_510 = arith.addf %add3A_508, %slice3A_509 : vector<8x512xf32>
      %slice3A_511 = vector.extract_strided_slice %add3A_510 {offsets = [0, 0], sizes = [8, 128], strides = [1, 1]} : vector<8x512xf32> to vector<8x128xf32>
      %slice3A_512 = vector.extract_strided_slice %add3A_510 {offsets = [0, 128], sizes = [8, 128], strides = [1, 1]} : vector<8x512xf32> to vector<8x128xf32>
      %add3A_513 = arith.addf %slice3A_511, %slice3A_512 : vector<8x128xf32>
      %slice3A_514 = vector.extract_strided_slice %add3A_510 {offsets = [0, 256], sizes = [8, 128], strides = [1, 1]} : vector<8x512xf32> to vector<8x128xf32>
      %add3A_515 = arith.addf %add3A_513, %slice3A_514 : vector<8x128xf32>
      %slice3A_516 = vector.extract_strided_slice %add3A_510 {offsets = [0, 384], sizes = [8, 128], strides = [1, 1]} : vector<8x512xf32> to vector<8x128xf32>
      %add3A_517 = arith.addf %add3A_515, %slice3A_516 : vector<8x128xf32>
      %get3A_518 = arith.constant 9 : index
      %get3A_519 = arith.constant 0 : index
      %get3A_520 = arith.constant 0 : index
      %get3A_521 = vector.load %arg2[%get3A_518, %get3A_519, %get3A_520] : memref<21x8x128xf32, #tpu.memory_space<vmem>>, vector<1x8x128xf32>
      %get3A_522 = vector.shape_cast %get3A_521 : vector<1x8x128xf32> to vector<8x128xf32>
      %add3A_523 = arith.addf %get3A_522, %add3A_517 : vector<8x128xf32>
      %swap3A_524 = arith.constant 9 : index
      %swap3A_525 = arith.constant 0 : index
      %swap3A_526 = arith.constant 0 : index
      %swap3A_527 = vector.load %arg2[%swap3A_524, %swap3A_525, %swap3A_526] : memref<21x8x128xf32, #tpu.memory_space<vmem>>, vector<1x8x128xf32>
      %swap3A_528 = vector.shape_cast %swap3A_527 : vector<1x8x128xf32> to vector<8x128xf32>
      %swap3A_529 = vector.shape_cast %add3A_523 : vector<8x128xf32> to vector<1x8x128xf32>
      tpu.vector_store %arg2[%swap3A_524, %swap3A_525, %swap3A_526], %swap3A_529 {strides = array<i32>} : memref<21x8x128xf32, #tpu.memory_space<vmem>>, vector<1x8x128xf32>,
      %eq3A_530 = arith.constant 10 : i32
      %eq3A_531 = vector.broadcast %eq3A_530 : i32 to vector<64x512xi32>
      %eq3A_532 = arith.cmpi eq, %get3A_129, %eq3A_531 : vector<64x512xi32>
      %jit3A_533 = arith.constant 0.000000e+00 : f32
      %broadcast_in_dim3A_534 = vector.broadcast %jit3A_533 : f32 to vector<64x512xf32>
      %select_n3A_535 = arith.select %eq3A_532, %div3A, %broadcast_in_dim3A_534 : vector<64x512xi1>, vector<64x512xf32>
      %slice3A_536 = vector.extract_strided_slice %select_n3A_535 {offsets = [0, 0], sizes = [8, 512], strides = [1, 1]} : vector<64x512xf32> to vector<8x512xf32>
      %slice3A_537 = vector.extract_strided_slice %select_n3A_535 {offsets = [8, 0], sizes = [8, 512], strides = [1, 1]} : vector<64x512xf32> to vector<8x512xf32>
      %add3A_538 = arith.addf %slice3A_536, %slice3A_537 : vector<8x512xf32>
      %slice3A_539 = vector.extract_strided_slice %select_n3A_535 {offsets = [16, 0], sizes = [8, 512], strides = [1, 1]} : vector<64x512xf32> to vector<8x512xf32>
      %add3A_540 = arith.addf %add3A_538, %slice3A_539 : vector<8x512xf32>
      %slice3A_541 = vector.extract_strided_slice %select_n3A_535 {offsets = [24, 0], sizes = [8, 512], strides = [1, 1]} : vector<64x512xf32> to vector<8x512xf32>
      %add3A_542 = arith.addf %add3A_540, %slice3A_541 : vector<8x512xf32>
      %slice3A_543 = vector.extract_strided_slice %select_n3A_535 {offsets = [32, 0], sizes = [8, 512], strides = [1, 1]} : vector<64x512xf32> to vector<8x512xf32>
      %add3A_544 = arith.addf %add3A_542, %slice3A_543 : vector<8x512xf32>
      %slice3A_545 = vector.extract_strided_slice %select_n3A_535 {offsets = [40, 0], sizes = [8, 512], strides = [1, 1]} : vector<64x512xf32> to vector<8x512xf32>
      %add3A_546 = arith.addf %add3A_544, %slice3A_545 : vector<8x512xf32>
      %slice3A_547 = vector.extract_strided_slice %select_n3A_535 {offsets = [48, 0], sizes = [8, 512], strides = [1, 1]} : vector<64x512xf32> to vector<8x512xf32>
      %add3A_548 = arith.addf %add3A_546, %slice3A_547 : vector<8x512xf32>
      %slice3A_549 = vector.extract_strided_slice %select_n3A_535 {offsets = [56, 0], sizes = [8, 512], strides = [1, 1]} : vector<64x512xf32> to vector<8x512xf32>
      %add3A_550 = arith.addf %add3A_548, %slice3A_549 : vector<8x512xf32>
      %slice3A_551 = vector.extract_strided_slice %add3A_550 {offsets = [0, 0], sizes = [8, 128], strides = [1, 1]} : vector<8x512xf32> to vector<8x128xf32>
      %slice3A_552 = vector.extract_strided_slice %add3A_550 {offsets = [0, 128], sizes = [8, 128], strides = [1, 1]} : vector<8x512xf32> to vector<8x128xf32>
      %add3A_553 = arith.addf %slice3A_551, %slice3A_552 : vector<8x128xf32>
      %slice3A_554 = vector.extract_strided_slice %add3A_550 {offsets = [0, 256], sizes = [8, 128], strides = [1, 1]} : vector<8x512xf32> to vector<8x128xf32>
      %add3A_555 = arith.addf %add3A_553, %slice3A_554 : vector<8x128xf32>
      %slice3A_556 = vector.extract_strided_slice %add3A_550 {offsets = [0, 384], sizes = [8, 128], strides = [1, 1]} : vector<8x512xf32> to vector<8x128xf32>
      %add3A_557 = arith.addf %add3A_555, %slice3A_556 : vector<8x128xf32>
      %get3A_558 = arith.constant 10 : index
      %get3A_559 = arith.constant 0 : index
      %get3A_560 = arith.constant 0 : index
      %get3A_561 = vector.load %arg2[%get3A_558, %get3A_559, %get3A_560] : memref<21x8x128xf32, #tpu.memory_space<vmem>>, vector<1x8x128xf32>
      %get3A_562 = vector.shape_cast %get3A_561 : vector<1x8x128xf32> to vector<8x128xf32>
      %add3A_563 = arith.addf %get3A_562, %add3A_557 : vector<8x128xf32>
      %swap3A_564 = arith.constant 10 : index
      %swap3A_565 = arith.constant 0 : index
      %swap3A_566 = arith.constant 0 : index
      %swap3A_567 = vector.load %arg2[%swap3A_564, %swap3A_565, %swap3A_566] : memref<21x8x128xf32, #tpu.memory_space<vmem>>, vector<1x8x128xf32>
      %swap3A_568 = vector.shape_cast %swap3A_567 : vector<1x8x128xf32> to vector<8x128xf32>
      %swap3A_569 = vector.shape_cast %add3A_563 : vector<8x128xf32> to vector<1x8x128xf32>
      tpu.vector_store %arg2[%swap3A_564, %swap3A_565, %swap3A_566], %swap3A_569 {strides = array<i32>} : memref<21x8x128xf32, #tpu.memory_space<vmem>>, vector<1x8x128xf32>,
      %eq3A_570 = arith.constant 11 : i32
      %eq3A_571 = vector.broadcast %eq3A_570 : i32 to vector<64x512xi32>
      %eq3A_572 = arith.cmpi eq, %get3A_129, %eq3A_571 : vector<64x512xi32>
      %jit3A_573 = arith.constant 0.000000e+00 : f32
      %broadcast_in_dim3A_574 = vector.broadcast %jit3A_573 : f32 to vector<64x512xf32>
      %select_n3A_575 = arith.select %eq3A_572, %div3A, %broadcast_in_dim3A_574 : vector<64x512xi1>, vector<64x512xf32>
      %slice3A_576 = vector.extract_strided_slice %select_n3A_575 {offsets = [0, 0], sizes = [8, 512], strides = [1, 1]} : vector<64x512xf32> to vector<8x512xf32>
      %slice3A_577 = vector.extract_strided_slice %select_n3A_575 {offsets = [8, 0], sizes = [8, 512], strides = [1, 1]} : vector<64x512xf32> to vector<8x512xf32>
      %add3A_578 = arith.addf %slice3A_576, %slice3A_577 : vector<8x512xf32>
      %slice3A_579 = vector.extract_strided_slice %select_n3A_575 {offsets = [16, 0], sizes = [8, 512], strides = [1, 1]} : vector<64x512xf32> to vector<8x512xf32>
      %add3A_580 = arith.addf %add3A_578, %slice3A_579 : vector<8x512xf32>
      %slice3A_581 = vector.extract_strided_slice %select_n3A_575 {offsets = [24, 0], sizes = [8, 512], strides = [1, 1]} : vector<64x512xf32> to vector<8x512xf32>
      %add3A_582 = arith.addf %add3A_580, %slice3A_581 : vector<8x512xf32>
      %slice3A_583 = vector.extract_strided_slice %select_n3A_575 {offsets = [32, 0], sizes = [8, 512], strides = [1, 1]} : vector<64x512xf32> to vector<8x512xf32>
      %add3A_584 = arith.addf %add3A_582, %slice3A_583 : vector<8x512xf32>
      %slice3A_585 = vector.extract_strided_slice %select_n3A_575 {offsets = [40, 0], sizes = [8, 512], strides = [1, 1]} : vector<64x512xf32> to vector<8x512xf32>
      %add3A_586 = arith.addf %add3A_584, %slice3A_585 : vector<8x512xf32>
      %slice3A_587 = vector.extract_strided_slice %select_n3A_575 {offsets = [48, 0], sizes = [8, 512], strides = [1, 1]} : vector<64x512xf32> to vector<8x512xf32>
      %add3A_588 = arith.addf %add3A_586, %slice3A_587 : vector<8x512xf32>
      %slice3A_589 = vector.extract_strided_slice %select_n3A_575 {offsets = [56, 0], sizes = [8, 512], strides = [1, 1]} : vector<64x512xf32> to vector<8x512xf32>
      %add3A_590 = arith.addf %add3A_588, %slice3A_589 : vector<8x512xf32>
      %slice3A_591 = vector.extract_strided_slice %add3A_590 {offsets = [0, 0], sizes = [8, 128], strides = [1, 1]} : vector<8x512xf32> to vector<8x128xf32>
      %slice3A_592 = vector.extract_strided_slice %add3A_590 {offsets = [0, 128], sizes = [8, 128], strides = [1, 1]} : vector<8x512xf32> to vector<8x128xf32>
      %add3A_593 = arith.addf %slice3A_591, %slice3A_592 : vector<8x128xf32>
      %slice3A_594 = vector.extract_strided_slice %add3A_590 {offsets = [0, 256], sizes = [8, 128], strides = [1, 1]} : vector<8x512xf32> to vector<8x128xf32>
      %add3A_595 = arith.addf %add3A_593, %slice3A_594 : vector<8x128xf32>
      %slice3A_596 = vector.extract_strided_slice %add3A_590 {offsets = [0, 384], sizes = [8, 128], strides = [1, 1]} : vector<8x512xf32> to vector<8x128xf32>
      %add3A_597 = arith.addf %add3A_595, %slice3A_596 : vector<8x128xf32>
      %get3A_598 = arith.constant 11 : index
      %get3A_599 = arith.constant 0 : index
      %get3A_600 = arith.constant 0 : index
      %get3A_601 = vector.load %arg2[%get3A_598, %get3A_599, %get3A_600] : memref<21x8x128xf32, #tpu.memory_space<vmem>>, vector<1x8x128xf32>
      %get3A_602 = vector.shape_cast %get3A_601 : vector<1x8x128xf32> to vector<8x128xf32>
      %add3A_603 = arith.addf %get3A_602, %add3A_597 : vector<8x128xf32>
      %swap3A_604 = arith.constant 11 : index
      %swap3A_605 = arith.constant 0 : index
      %swap3A_606 = arith.constant 0 : index
      %swap3A_607 = vector.load %arg2[%swap3A_604, %swap3A_605, %swap3A_606] : memref<21x8x128xf32, #tpu.memory_space<vmem>>, vector<1x8x128xf32>
      %swap3A_608 = vector.shape_cast %swap3A_607 : vector<1x8x128xf32> to vector<8x128xf32>
      %swap3A_609 = vector.shape_cast %add3A_603 : vector<8x128xf32> to vector<1x8x128xf32>
      tpu.vector_store %arg2[%swap3A_604, %swap3A_605, %swap3A_606], %swap3A_609 {strides = array<i32>} : memref<21x8x128xf32, #tpu.memory_space<vmem>>, vector<1x8x128xf32>,
      %eq3A_610 = arith.constant 12 : i32
      %eq3A_611 = vector.broadcast %eq3A_610 : i32 to vector<64x512xi32>
      %eq3A_612 = arith.cmpi eq, %get3A_129, %eq3A_611 : vector<64x512xi32>
      %jit3A_613 = arith.constant 0.000000e+00 : f32
      %broadcast_in_dim3A_614 = vector.broadcast %jit3A_613 : f32 to vector<64x512xf32>
      %select_n3A_615 = arith.select %eq3A_612, %div3A, %broadcast_in_dim3A_614 : vector<64x512xi1>, vector<64x512xf32>
      %slice3A_616 = vector.extract_strided_slice %select_n3A_615 {offsets = [0, 0], sizes = [8, 512], strides = [1, 1]} : vector<64x512xf32> to vector<8x512xf32>
      %slice3A_617 = vector.extract_strided_slice %select_n3A_615 {offsets = [8, 0], sizes = [8, 512], strides = [1, 1]} : vector<64x512xf32> to vector<8x512xf32>
      %add3A_618 = arith.addf %slice3A_616, %slice3A_617 : vector<8x512xf32>
      %slice3A_619 = vector.extract_strided_slice %select_n3A_615 {offsets = [16, 0], sizes = [8, 512], strides = [1, 1]} : vector<64x512xf32> to vector<8x512xf32>
      %add3A_620 = arith.addf %add3A_618, %slice3A_619 : vector<8x512xf32>
      %slice3A_621 = vector.extract_strided_slice %select_n3A_615 {offsets = [24, 0], sizes = [8, 512], strides = [1, 1]} : vector<64x512xf32> to vector<8x512xf32>
      %add3A_622 = arith.addf %add3A_620, %slice3A_621 : vector<8x512xf32>
      %slice3A_623 = vector.extract_strided_slice %select_n3A_615 {offsets = [32, 0], sizes = [8, 512], strides = [1, 1]} : vector<64x512xf32> to vector<8x512xf32>
      %add3A_624 = arith.addf %add3A_622, %slice3A_623 : vector<8x512xf32>
      %slice3A_625 = vector.extract_strided_slice %select_n3A_615 {offsets = [40, 0], sizes = [8, 512], strides = [1, 1]} : vector<64x512xf32> to vector<8x512xf32>
      %add3A_626 = arith.addf %add3A_624, %slice3A_625 : vector<8x512xf32>
      %slice3A_627 = vector.extract_strided_slice %select_n3A_615 {offsets = [48, 0], sizes = [8, 512], strides = [1, 1]} : vector<64x512xf32> to vector<8x512xf32>
      %add3A_628 = arith.addf %add3A_626, %slice3A_627 : vector<8x512xf32>
      %slice3A_629 = vector.extract_strided_slice %select_n3A_615 {offsets = [56, 0], sizes = [8, 512], strides = [1, 1]} : vector<64x512xf32> to vector<8x512xf32>
      %add3A_630 = arith.addf %add3A_628, %slice3A_629 : vector<8x512xf32>
      %slice3A_631 = vector.extract_strided_slice %add3A_630 {offsets = [0, 0], sizes = [8, 128], strides = [1, 1]} : vector<8x512xf32> to vector<8x128xf32>
      %slice3A_632 = vector.extract_strided_slice %add3A_630 {offsets = [0, 128], sizes = [8, 128], strides = [1, 1]} : vector<8x512xf32> to vector<8x128xf32>
      %add3A_633 = arith.addf %slice3A_631, %slice3A_632 : vector<8x128xf32>
      %slice3A_634 = vector.extract_strided_slice %add3A_630 {offsets = [0, 256], sizes = [8, 128], strides = [1, 1]} : vector<8x512xf32> to vector<8x128xf32>
      %add3A_635 = arith.addf %add3A_633, %slice3A_634 : vector<8x128xf32>
      %slice3A_636 = vector.extract_strided_slice %add3A_630 {offsets = [0, 384], sizes = [8, 128], strides = [1, 1]} : vector<8x512xf32> to vector<8x128xf32>
      %add3A_637 = arith.addf %add3A_635, %slice3A_636 : vector<8x128xf32>
      %get3A_638 = arith.constant 12 : index
      %get3A_639 = arith.constant 0 : index
      %get3A_640 = arith.constant 0 : index
      %get3A_641 = vector.load %arg2[%get3A_638, %get3A_639, %get3A_640] : memref<21x8x128xf32, #tpu.memory_space<vmem>>, vector<1x8x128xf32>
      %get3A_642 = vector.shape_cast %get3A_641 : vector<1x8x128xf32> to vector<8x128xf32>
      %add3A_643 = arith.addf %get3A_642, %add3A_637 : vector<8x128xf32>
      %swap3A_644 = arith.constant 12 : index
      %swap3A_645 = arith.constant 0 : index
      %swap3A_646 = arith.constant 0 : index
      %swap3A_647 = vector.load %arg2[%swap3A_644, %swap3A_645, %swap3A_646] : memref<21x8x128xf32, #tpu.memory_space<vmem>>, vector<1x8x128xf32>
      %swap3A_648 = vector.shape_cast %swap3A_647 : vector<1x8x128xf32> to vector<8x128xf32>
      %swap3A_649 = vector.shape_cast %add3A_643 : vector<8x128xf32> to vector<1x8x128xf32>
      tpu.vector_store %arg2[%swap3A_644, %swap3A_645, %swap3A_646], %swap3A_649 {strides = array<i32>} : memref<21x8x128xf32, #tpu.memory_space<vmem>>, vector<1x8x128xf32>,
      %eq3A_650 = arith.constant 13 : i32
      %eq3A_651 = vector.broadcast %eq3A_650 : i32 to vector<64x512xi32>
      %eq3A_652 = arith.cmpi eq, %get3A_129, %eq3A_651 : vector<64x512xi32>
      %jit3A_653 = arith.constant 0.000000e+00 : f32
      %broadcast_in_dim3A_654 = vector.broadcast %jit3A_653 : f32 to vector<64x512xf32>
      %select_n3A_655 = arith.select %eq3A_652, %div3A, %broadcast_in_dim3A_654 : vector<64x512xi1>, vector<64x512xf32>
      %slice3A_656 = vector.extract_strided_slice %select_n3A_655 {offsets = [0, 0], sizes = [8, 512], strides = [1, 1]} : vector<64x512xf32> to vector<8x512xf32>
      %slice3A_657 = vector.extract_strided_slice %select_n3A_655 {offsets = [8, 0], sizes = [8, 512], strides = [1, 1]} : vector<64x512xf32> to vector<8x512xf32>
      %add3A_658 = arith.addf %slice3A_656, %slice3A_657 : vector<8x512xf32>
      %slice3A_659 = vector.extract_strided_slice %select_n3A_655 {offsets = [16, 0], sizes = [8, 512], strides = [1, 1]} : vector<64x512xf32> to vector<8x512xf32>
      %add3A_660 = arith.addf %add3A_658, %slice3A_659 : vector<8x512xf32>
      %slice3A_661 = vector.extract_strided_slice %select_n3A_655 {offsets = [24, 0], sizes = [8, 512], strides = [1, 1]} : vector<64x512xf32> to vector<8x512xf32>
      %add3A_662 = arith.addf %add3A_660, %slice3A_661 : vector<8x512xf32>
      %slice3A_663 = vector.extract_strided_slice %select_n3A_655 {offsets = [32, 0], sizes = [8, 512], strides = [1, 1]} : vector<64x512xf32> to vector<8x512xf32>
      %add3A_664 = arith.addf %add3A_662, %slice3A_663 : vector<8x512xf32>
      %slice3A_665 = vector.extract_strided_slice %select_n3A_655 {offsets = [40, 0], sizes = [8, 512], strides = [1, 1]} : vector<64x512xf32> to vector<8x512xf32>
      %add3A_666 = arith.addf %add3A_664, %slice3A_665 : vector<8x512xf32>
      %slice3A_667 = vector.extract_strided_slice %select_n3A_655 {offsets = [48, 0], sizes = [8, 512], strides = [1, 1]} : vector<64x512xf32> to vector<8x512xf32>
      %add3A_668 = arith.addf %add3A_666, %slice3A_667 : vector<8x512xf32>
      %slice3A_669 = vector.extract_strided_slice %select_n3A_655 {offsets = [56, 0], sizes = [8, 512], strides = [1, 1]} : vector<64x512xf32> to vector<8x512xf32>
      %add3A_670 = arith.addf %add3A_668, %slice3A_669 : vector<8x512xf32>
      %slice3A_671 = vector.extract_strided_slice %add3A_670 {offsets = [0, 0], sizes = [8, 128], strides = [1, 1]} : vector<8x512xf32> to vector<8x128xf32>
      %slice3A_672 = vector.extract_strided_slice %add3A_670 {offsets = [0, 128], sizes = [8, 128], strides = [1, 1]} : vector<8x512xf32> to vector<8x128xf32>
      %add3A_673 = arith.addf %slice3A_671, %slice3A_672 : vector<8x128xf32>
      %slice3A_674 = vector.extract_strided_slice %add3A_670 {offsets = [0, 256], sizes = [8, 128], strides = [1, 1]} : vector<8x512xf32> to vector<8x128xf32>
      %add3A_675 = arith.addf %add3A_673, %slice3A_674 : vector<8x128xf32>
      %slice3A_676 = vector.extract_strided_slice %add3A_670 {offsets = [0, 384], sizes = [8, 128], strides = [1, 1]} : vector<8x512xf32> to vector<8x128xf32>
      %add3A_677 = arith.addf %add3A_675, %slice3A_676 : vector<8x128xf32>
      %get3A_678 = arith.constant 13 : index
      %get3A_679 = arith.constant 0 : index
      %get3A_680 = arith.constant 0 : index
      %get3A_681 = vector.load %arg2[%get3A_678, %get3A_679, %get3A_680] : memref<21x8x128xf32, #tpu.memory_space<vmem>>, vector<1x8x128xf32>
      %get3A_682 = vector.shape_cast %get3A_681 : vector<1x8x128xf32> to vector<8x128xf32>
      %add3A_683 = arith.addf %get3A_682, %add3A_677 : vector<8x128xf32>
      %swap3A_684 = arith.constant 13 : index
      %swap3A_685 = arith.constant 0 : index
      %swap3A_686 = arith.constant 0 : index
      %swap3A_687 = vector.load %arg2[%swap3A_684, %swap3A_685, %swap3A_686] : memref<21x8x128xf32, #tpu.memory_space<vmem>>, vector<1x8x128xf32>
      %swap3A_688 = vector.shape_cast %swap3A_687 : vector<1x8x128xf32> to vector<8x128xf32>
      %swap3A_689 = vector.shape_cast %add3A_683 : vector<8x128xf32> to vector<1x8x128xf32>
      tpu.vector_store %arg2[%swap3A_684, %swap3A_685, %swap3A_686], %swap3A_689 {strides = array<i32>} : memref<21x8x128xf32, #tpu.memory_space<vmem>>, vector<1x8x128xf32>,
      %eq3A_690 = arith.constant 14 : i32
      %eq3A_691 = vector.broadcast %eq3A_690 : i32 to vector<64x512xi32>
      %eq3A_692 = arith.cmpi eq, %get3A_129, %eq3A_691 : vector<64x512xi32>
      %jit3A_693 = arith.constant 0.000000e+00 : f32
      %broadcast_in_dim3A_694 = vector.broadcast %jit3A_693 : f32 to vector<64x512xf32>
      %select_n3A_695 = arith.select %eq3A_692, %div3A, %broadcast_in_dim3A_694 : vector<64x512xi1>, vector<64x512xf32>
      %slice3A_696 = vector.extract_strided_slice %select_n3A_695 {offsets = [0, 0], sizes = [8, 512], strides = [1, 1]} : vector<64x512xf32> to vector<8x512xf32>
      %slice3A_697 = vector.extract_strided_slice %select_n3A_695 {offsets = [8, 0], sizes = [8, 512], strides = [1, 1]} : vector<64x512xf32> to vector<8x512xf32>
      %add3A_698 = arith.addf %slice3A_696, %slice3A_697 : vector<8x512xf32>
      %slice3A_699 = vector.extract_strided_slice %select_n3A_695 {offsets = [16, 0], sizes = [8, 512], strides = [1, 1]} : vector<64x512xf32> to vector<8x512xf32>
      %add3A_700 = arith.addf %add3A_698, %slice3A_699 : vector<8x512xf32>
      %slice3A_701 = vector.extract_strided_slice %select_n3A_695 {offsets = [24, 0], sizes = [8, 512], strides = [1, 1]} : vector<64x512xf32> to vector<8x512xf32>
      %add3A_702 = arith.addf %add3A_700, %slice3A_701 : vector<8x512xf32>
      %slice3A_703 = vector.extract_strided_slice %select_n3A_695 {offsets = [32, 0], sizes = [8, 512], strides = [1, 1]} : vector<64x512xf32> to vector<8x512xf32>
      %add3A_704 = arith.addf %add3A_702, %slice3A_703 : vector<8x512xf32>
      %slice3A_705 = vector.extract_strided_slice %select_n3A_695 {offsets = [40, 0], sizes = [8, 512], strides = [1, 1]} : vector<64x512xf32> to vector<8x512xf32>
      %add3A_706 = arith.addf %add3A_704, %slice3A_705 : vector<8x512xf32>
      %slice3A_707 = vector.extract_strided_slice %select_n3A_695 {offsets = [48, 0], sizes = [8, 512], strides = [1, 1]} : vector<64x512xf32> to vector<8x512xf32>
      %add3A_708 = arith.addf %add3A_706, %slice3A_707 : vector<8x512xf32>
      %slice3A_709 = vector.extract_strided_slice %select_n3A_695 {offsets = [56, 0], sizes = [8, 512], strides = [1, 1]} : vector<64x512xf32> to vector<8x512xf32>
      %add3A_710 = arith.addf %add3A_708, %slice3A_709 : vector<8x512xf32>
      %slice3A_711 = vector.extract_strided_slice %add3A_710 {offsets = [0, 0], sizes = [8, 128], strides = [1, 1]} : vector<8x512xf32> to vector<8x128xf32>
      %slice3A_712 = vector.extract_strided_slice %add3A_710 {offsets = [0, 128], sizes = [8, 128], strides = [1, 1]} : vector<8x512xf32> to vector<8x128xf32>
      %add3A_713 = arith.addf %slice3A_711, %slice3A_712 : vector<8x128xf32>
      %slice3A_714 = vector.extract_strided_slice %add3A_710 {offsets = [0, 256], sizes = [8, 128], strides = [1, 1]} : vector<8x512xf32> to vector<8x128xf32>
      %add3A_715 = arith.addf %add3A_713, %slice3A_714 : vector<8x128xf32>
      %slice3A_716 = vector.extract_strided_slice %add3A_710 {offsets = [0, 384], sizes = [8, 128], strides = [1, 1]} : vector<8x512xf32> to vector<8x128xf32>
      %add3A_717 = arith.addf %add3A_715, %slice3A_716 : vector<8x128xf32>
      %get3A_718 = arith.constant 14 : index
      %get3A_719 = arith.constant 0 : index
      %get3A_720 = arith.constant 0 : index
      %get3A_721 = vector.load %arg2[%get3A_718, %get3A_719, %get3A_720] : memref<21x8x128xf32, #tpu.memory_space<vmem>>, vector<1x8x128xf32>
      %get3A_722 = vector.shape_cast %get3A_721 : vector<1x8x128xf32> to vector<8x128xf32>
      %add3A_723 = arith.addf %get3A_722, %add3A_717 : vector<8x128xf32>
      %swap3A_724 = arith.constant 14 : index
      %swap3A_725 = arith.constant 0 : index
      %swap3A_726 = arith.constant 0 : index
      %swap3A_727 = vector.load %arg2[%swap3A_724, %swap3A_725, %swap3A_726] : memref<21x8x128xf32, #tpu.memory_space<vmem>>, vector<1x8x128xf32>
      %swap3A_728 = vector.shape_cast %swap3A_727 : vector<1x8x128xf32> to vector<8x128xf32>
      %swap3A_729 = vector.shape_cast %add3A_723 : vector<8x128xf32> to vector<1x8x128xf32>
      tpu.vector_store %arg2[%swap3A_724, %swap3A_725, %swap3A_726], %swap3A_729 {strides = array<i32>} : memref<21x8x128xf32, #tpu.memory_space<vmem>>, vector<1x8x128xf32>,
      %eq3A_730 = arith.constant 15 : i32
      %eq3A_731 = vector.broadcast %eq3A_730 : i32 to vector<64x512xi32>
      %eq3A_732 = arith.cmpi eq, %get3A_129, %eq3A_731 : vector<64x512xi32>
      %jit3A_733 = arith.constant 0.000000e+00 : f32
      %broadcast_in_dim3A_734 = vector.broadcast %jit3A_733 : f32 to vector<64x512xf32>
      %select_n3A_735 = arith.select %eq3A_732, %div3A, %broadcast_in_dim3A_734 : vector<64x512xi1>, vector<64x512xf32>
      %slice3A_736 = vector.extract_strided_slice %select_n3A_735 {offsets = [0, 0], sizes = [8, 512], strides = [1, 1]} : vector<64x512xf32> to vector<8x512xf32>
      %slice3A_737 = vector.extract_strided_slice %select_n3A_735 {offsets = [8, 0], sizes = [8, 512], strides = [1, 1]} : vector<64x512xf32> to vector<8x512xf32>
      %add3A_738 = arith.addf %slice3A_736, %slice3A_737 : vector<8x512xf32>
      %slice3A_739 = vector.extract_strided_slice %select_n3A_735 {offsets = [16, 0], sizes = [8, 512], strides = [1, 1]} : vector<64x512xf32> to vector<8x512xf32>
      %add3A_740 = arith.addf %add3A_738, %slice3A_739 : vector<8x512xf32>
      %slice3A_741 = vector.extract_strided_slice %select_n3A_735 {offsets = [24, 0], sizes = [8, 512], strides = [1, 1]} : vector<64x512xf32> to vector<8x512xf32>
      %add3A_742 = arith.addf %add3A_740, %slice3A_741 : vector<8x512xf32>
      %slice3A_743 = vector.extract_strided_slice %select_n3A_735 {offsets = [32, 0], sizes = [8, 512], strides = [1, 1]} : vector<64x512xf32> to vector<8x512xf32>
      %add3A_744 = arith.addf %add3A_742, %slice3A_743 : vector<8x512xf32>
      %slice3A_745 = vector.extract_strided_slice %select_n3A_735 {offsets = [40, 0], sizes = [8, 512], strides = [1, 1]} : vector<64x512xf32> to vector<8x512xf32>
      %add3A_746 = arith.addf %add3A_744, %slice3A_745 : vector<8x512xf32>
      %slice3A_747 = vector.extract_strided_slice %select_n3A_735 {offsets = [48, 0], sizes = [8, 512], strides = [1, 1]} : vector<64x512xf32> to vector<8x512xf32>
      %add3A_748 = arith.addf %add3A_746, %slice3A_747 : vector<8x512xf32>
      %slice3A_749 = vector.extract_strided_slice %select_n3A_735 {offsets = [56, 0], sizes = [8, 512], strides = [1, 1]} : vector<64x512xf32> to vector<8x512xf32>
      %add3A_750 = arith.addf %add3A_748, %slice3A_749 : vector<8x512xf32>
      %slice3A_751 = vector.extract_strided_slice %add3A_750 {offsets = [0, 0], sizes = [8, 128], strides = [1, 1]} : vector<8x512xf32> to vector<8x128xf32>
      %slice3A_752 = vector.extract_strided_slice %add3A_750 {offsets = [0, 128], sizes = [8, 128], strides = [1, 1]} : vector<8x512xf32> to vector<8x128xf32>
      %add3A_753 = arith.addf %slice3A_751, %slice3A_752 : vector<8x128xf32>
      %slice3A_754 = vector.extract_strided_slice %add3A_750 {offsets = [0, 256], sizes = [8, 128], strides = [1, 1]} : vector<8x512xf32> to vector<8x128xf32>
      %add3A_755 = arith.addf %add3A_753, %slice3A_754 : vector<8x128xf32>
      %slice3A_756 = vector.extract_strided_slice %add3A_750 {offsets = [0, 384], sizes = [8, 128], strides = [1, 1]} : vector<8x512xf32> to vector<8x128xf32>
      %add3A_757 = arith.addf %add3A_755, %slice3A_756 : vector<8x128xf32>
      %get3A_758 = arith.constant 15 : index
      %get3A_759 = arith.constant 0 : index
      %get3A_760 = arith.constant 0 : index
      %get3A_761 = vector.load %arg2[%get3A_758, %get3A_759, %get3A_760] : memref<21x8x128xf32, #tpu.memory_space<vmem>>, vector<1x8x128xf32>
      %get3A_762 = vector.shape_cast %get3A_761 : vector<1x8x128xf32> to vector<8x128xf32>
      %add3A_763 = arith.addf %get3A_762, %add3A_757 : vector<8x128xf32>
      %swap3A_764 = arith.constant 15 : index
      %swap3A_765 = arith.constant 0 : index
      %swap3A_766 = arith.constant 0 : index
      %swap3A_767 = vector.load %arg2[%swap3A_764, %swap3A_765, %swap3A_766] : memref<21x8x128xf32, #tpu.memory_space<vmem>>, vector<1x8x128xf32>
      %swap3A_768 = vector.shape_cast %swap3A_767 : vector<1x8x128xf32> to vector<8x128xf32>
      %swap3A_769 = vector.shape_cast %add3A_763 : vector<8x128xf32> to vector<1x8x128xf32>
      tpu.vector_store %arg2[%swap3A_764, %swap3A_765, %swap3A_766], %swap3A_769 {strides = array<i32>} : memref<21x8x128xf32, #tpu.memory_space<vmem>>, vector<1x8x128xf32>,
      %eq3A_770 = arith.constant 16 : i32
      %eq3A_771 = vector.broadcast %eq3A_770 : i32 to vector<64x512xi32>
      %eq3A_772 = arith.cmpi eq, %get3A_129, %eq3A_771 : vector<64x512xi32>
      %jit3A_773 = arith.constant 0.000000e+00 : f32
      %broadcast_in_dim3A_774 = vector.broadcast %jit3A_773 : f32 to vector<64x512xf32>
      %select_n3A_775 = arith.select %eq3A_772, %div3A, %broadcast_in_dim3A_774 : vector<64x512xi1>, vector<64x512xf32>
      %slice3A_776 = vector.extract_strided_slice %select_n3A_775 {offsets = [0, 0], sizes = [8, 512], strides = [1, 1]} : vector<64x512xf32> to vector<8x512xf32>
      %slice3A_777 = vector.extract_strided_slice %select_n3A_775 {offsets = [8, 0], sizes = [8, 512], strides = [1, 1]} : vector<64x512xf32> to vector<8x512xf32>
      %add3A_778 = arith.addf %slice3A_776, %slice3A_777 : vector<8x512xf32>
      %slice3A_779 = vector.extract_strided_slice %select_n3A_775 {offsets = [16, 0], sizes = [8, 512], strides = [1, 1]} : vector<64x512xf32> to vector<8x512xf32>
      %add3A_780 = arith.addf %add3A_778, %slice3A_779 : vector<8x512xf32>
      %slice3A_781 = vector.extract_strided_slice %select_n3A_775 {offsets = [24, 0], sizes = [8, 512], strides = [1, 1]} : vector<64x512xf32> to vector<8x512xf32>
      %add3A_782 = arith.addf %add3A_780, %slice3A_781 : vector<8x512xf32>
      %slice3A_783 = vector.extract_strided_slice %select_n3A_775 {offsets = [32, 0], sizes = [8, 512], strides = [1, 1]} : vector<64x512xf32> to vector<8x512xf32>
      %add3A_784 = arith.addf %add3A_782, %slice3A_783 : vector<8x512xf32>
      %slice3A_785 = vector.extract_strided_slice %select_n3A_775 {offsets = [40, 0], sizes = [8, 512], strides = [1, 1]} : vector<64x512xf32> to vector<8x512xf32>
      %add3A_786 = arith.addf %add3A_784, %slice3A_785 : vector<8x512xf32>
      %slice3A_787 = vector.extract_strided_slice %select_n3A_775 {offsets = [48, 0], sizes = [8, 512], strides = [1, 1]} : vector<64x512xf32> to vector<8x512xf32>
      %add3A_788 = arith.addf %add3A_786, %slice3A_787 : vector<8x512xf32>
      %slice3A_789 = vector.extract_strided_slice %select_n3A_775 {offsets = [56, 0], sizes = [8, 512], strides = [1, 1]} : vector<64x512xf32> to vector<8x512xf32>
      %add3A_790 = arith.addf %add3A_788, %slice3A_789 : vector<8x512xf32>
      %slice3A_791 = vector.extract_strided_slice %add3A_790 {offsets = [0, 0], sizes = [8, 128], strides = [1, 1]} : vector<8x512xf32> to vector<8x128xf32>
      %slice3A_792 = vector.extract_strided_slice %add3A_790 {offsets = [0, 128], sizes = [8, 128], strides = [1, 1]} : vector<8x512xf32> to vector<8x128xf32>
      %add3A_793 = arith.addf %slice3A_791, %slice3A_792 : vector<8x128xf32>
      %slice3A_794 = vector.extract_strided_slice %add3A_790 {offsets = [0, 256], sizes = [8, 128], strides = [1, 1]} : vector<8x512xf32> to vector<8x128xf32>
      %add3A_795 = arith.addf %add3A_793, %slice3A_794 : vector<8x128xf32>
      %slice3A_796 = vector.extract_strided_slice %add3A_790 {offsets = [0, 384], sizes = [8, 128], strides = [1, 1]} : vector<8x512xf32> to vector<8x128xf32>
      %add3A_797 = arith.addf %add3A_795, %slice3A_796 : vector<8x128xf32>
      %get3A_798 = arith.constant 16 : index
      %get3A_799 = arith.constant 0 : index
      %get3A_800 = arith.constant 0 : index
      %get3A_801 = vector.load %arg2[%get3A_798, %get3A_799, %get3A_800] : memref<21x8x128xf32, #tpu.memory_space<vmem>>, vector<1x8x128xf32>
      %get3A_802 = vector.shape_cast %get3A_801 : vector<1x8x128xf32> to vector<8x128xf32>
      %add3A_803 = arith.addf %get3A_802, %add3A_797 : vector<8x128xf32>
      %swap3A_804 = arith.constant 16 : index
      %swap3A_805 = arith.constant 0 : index
      %swap3A_806 = arith.constant 0 : index
      %swap3A_807 = vector.load %arg2[%swap3A_804, %swap3A_805, %swap3A_806] : memref<21x8x128xf32, #tpu.memory_space<vmem>>, vector<1x8x128xf32>
      %swap3A_808 = vector.shape_cast %swap3A_807 : vector<1x8x128xf32> to vector<8x128xf32>
      %swap3A_809 = vector.shape_cast %add3A_803 : vector<8x128xf32> to vector<1x8x128xf32>
      tpu.vector_store %arg2[%swap3A_804, %swap3A_805, %swap3A_806], %swap3A_809 {strides = array<i32>} : memref<21x8x128xf32, #tpu.memory_space<vmem>>, vector<1x8x128xf32>,
      %eq3A_810 = arith.constant 17 : i32
      %eq3A_811 = vector.broadcast %eq3A_810 : i32 to vector<64x512xi32>
      %eq3A_812 = arith.cmpi eq, %get3A_129, %eq3A_811 : vector<64x512xi32>
      %jit3A_813 = arith.constant 0.000000e+00 : f32
      %broadcast_in_dim3A_814 = vector.broadcast %jit3A_813 : f32 to vector<64x512xf32>
      %select_n3A_815 = arith.select %eq3A_812, %div3A, %broadcast_in_dim3A_814 : vector<64x512xi1>, vector<64x512xf32>
      %slice3A_816 = vector.extract_strided_slice %select_n3A_815 {offsets = [0, 0], sizes = [8, 512], strides = [1, 1]} : vector<64x512xf32> to vector<8x512xf32>
      %slice3A_817 = vector.extract_strided_slice %select_n3A_815 {offsets = [8, 0], sizes = [8, 512], strides = [1, 1]} : vector<64x512xf32> to vector<8x512xf32>
      %add3A_818 = arith.addf %slice3A_816, %slice3A_817 : vector<8x512xf32>
      %slice3A_819 = vector.extract_strided_slice %select_n3A_815 {offsets = [16, 0], sizes = [8, 512], strides = [1, 1]} : vector<64x512xf32> to vector<8x512xf32>
      %add3A_820 = arith.addf %add3A_818, %slice3A_819 : vector<8x512xf32>
      %slice3A_821 = vector.extract_strided_slice %select_n3A_815 {offsets = [24, 0], sizes = [8, 512], strides = [1, 1]} : vector<64x512xf32> to vector<8x512xf32>
      %add3A_822 = arith.addf %add3A_820, %slice3A_821 : vector<8x512xf32>
      %slice3A_823 = vector.extract_strided_slice %select_n3A_815 {offsets = [32, 0], sizes = [8, 512], strides = [1, 1]} : vector<64x512xf32> to vector<8x512xf32>
      %add3A_824 = arith.addf %add3A_822, %slice3A_823 : vector<8x512xf32>
      %slice3A_825 = vector.extract_strided_slice %select_n3A_815 {offsets = [40, 0], sizes = [8, 512], strides = [1, 1]} : vector<64x512xf32> to vector<8x512xf32>
      %add3A_826 = arith.addf %add3A_824, %slice3A_825 : vector<8x512xf32>
      %slice3A_827 = vector.extract_strided_slice %select_n3A_815 {offsets = [48, 0], sizes = [8, 512], strides = [1, 1]} : vector<64x512xf32> to vector<8x512xf32>
      %add3A_828 = arith.addf %add3A_826, %slice3A_827 : vector<8x512xf32>
      %slice3A_829 = vector.extract_strided_slice %select_n3A_815 {offsets = [56, 0], sizes = [8, 512], strides = [1, 1]} : vector<64x512xf32> to vector<8x512xf32>
      %add3A_830 = arith.addf %add3A_828, %slice3A_829 : vector<8x512xf32>
      %slice3A_831 = vector.extract_strided_slice %add3A_830 {offsets = [0, 0], sizes = [8, 128], strides = [1, 1]} : vector<8x512xf32> to vector<8x128xf32>
      %slice3A_832 = vector.extract_strided_slice %add3A_830 {offsets = [0, 128], sizes = [8, 128], strides = [1, 1]} : vector<8x512xf32> to vector<8x128xf32>
      %add3A_833 = arith.addf %slice3A_831, %slice3A_832 : vector<8x128xf32>
      %slice3A_834 = vector.extract_strided_slice %add3A_830 {offsets = [0, 256], sizes = [8, 128], strides = [1, 1]} : vector<8x512xf32> to vector<8x128xf32>
      %add3A_835 = arith.addf %add3A_833, %slice3A_834 : vector<8x128xf32>
      %slice3A_836 = vector.extract_strided_slice %add3A_830 {offsets = [0, 384], sizes = [8, 128], strides = [1, 1]} : vector<8x512xf32> to vector<8x128xf32>
      %add3A_837 = arith.addf %add3A_835, %slice3A_836 : vector<8x128xf32>
      %get3A_838 = arith.constant 17 : index
      %get3A_839 = arith.constant 0 : index
      %get3A_840 = arith.constant 0 : index
      %get3A_841 = vector.load %arg2[%get3A_838, %get3A_839, %get3A_840] : memref<21x8x128xf32, #tpu.memory_space<vmem>>, vector<1x8x128xf32>
      %get3A_842 = vector.shape_cast %get3A_841 : vector<1x8x128xf32> to vector<8x128xf32>
      %add3A_843 = arith.addf %get3A_842, %add3A_837 : vector<8x128xf32>
      %swap3A_844 = arith.constant 17 : index
      %swap3A_845 = arith.constant 0 : index
      %swap3A_846 = arith.constant 0 : index
      %swap3A_847 = vector.load %arg2[%swap3A_844, %swap3A_845, %swap3A_846] : memref<21x8x128xf32, #tpu.memory_space<vmem>>, vector<1x8x128xf32>
      %swap3A_848 = vector.shape_cast %swap3A_847 : vector<1x8x128xf32> to vector<8x128xf32>
      %swap3A_849 = vector.shape_cast %add3A_843 : vector<8x128xf32> to vector<1x8x128xf32>
      tpu.vector_store %arg2[%swap3A_844, %swap3A_845, %swap3A_846], %swap3A_849 {strides = array<i32>} : memref<21x8x128xf32, #tpu.memory_space<vmem>>, vector<1x8x128xf32>,
      %eq3A_850 = arith.constant 18 : i32
      %eq3A_851 = vector.broadcast %eq3A_850 : i32 to vector<64x512xi32>
      %eq3A_852 = arith.cmpi eq, %get3A_129, %eq3A_851 : vector<64x512xi32>
      %jit3A_853 = arith.constant 0.000000e+00 : f32
      %broadcast_in_dim3A_854 = vector.broadcast %jit3A_853 : f32 to vector<64x512xf32>
      %select_n3A_855 = arith.select %eq3A_852, %div3A, %broadcast_in_dim3A_854 : vector<64x512xi1>, vector<64x512xf32>
      %slice3A_856 = vector.extract_strided_slice %select_n3A_855 {offsets = [0, 0], sizes = [8, 512], strides = [1, 1]} : vector<64x512xf32> to vector<8x512xf32>
      %slice3A_857 = vector.extract_strided_slice %select_n3A_855 {offsets = [8, 0], sizes = [8, 512], strides = [1, 1]} : vector<64x512xf32> to vector<8x512xf32>
      %add3A_858 = arith.addf %slice3A_856, %slice3A_857 : vector<8x512xf32>
      %slice3A_859 = vector.extract_strided_slice %select_n3A_855 {offsets = [16, 0], sizes = [8, 512], strides = [1, 1]} : vector<64x512xf32> to vector<8x512xf32>
      %add3A_860 = arith.addf %add3A_858, %slice3A_859 : vector<8x512xf32>
      %slice3A_861 = vector.extract_strided_slice %select_n3A_855 {offsets = [24, 0], sizes = [8, 512], strides = [1, 1]} : vector<64x512xf32> to vector<8x512xf32>
      %add3A_862 = arith.addf %add3A_860, %slice3A_861 : vector<8x512xf32>
      %slice3A_863 = vector.extract_strided_slice %select_n3A_855 {offsets = [32, 0], sizes = [8, 512], strides = [1, 1]} : vector<64x512xf32> to vector<8x512xf32>
      %add3A_864 = arith.addf %add3A_862, %slice3A_863 : vector<8x512xf32>
      %slice3A_865 = vector.extract_strided_slice %select_n3A_855 {offsets = [40, 0], sizes = [8, 512], strides = [1, 1]} : vector<64x512xf32> to vector<8x512xf32>
      %add3A_866 = arith.addf %add3A_864, %slice3A_865 : vector<8x512xf32>
      %slice3A_867 = vector.extract_strided_slice %select_n3A_855 {offsets = [48, 0], sizes = [8, 512], strides = [1, 1]} : vector<64x512xf32> to vector<8x512xf32>
      %add3A_868 = arith.addf %add3A_866, %slice3A_867 : vector<8x512xf32>
      %slice3A_869 = vector.extract_strided_slice %select_n3A_855 {offsets = [56, 0], sizes = [8, 512], strides = [1, 1]} : vector<64x512xf32> to vector<8x512xf32>
      %add3A_870 = arith.addf %add3A_868, %slice3A_869 : vector<8x512xf32>
      %slice3A_871 = vector.extract_strided_slice %add3A_870 {offsets = [0, 0], sizes = [8, 128], strides = [1, 1]} : vector<8x512xf32> to vector<8x128xf32>
      %slice3A_872 = vector.extract_strided_slice %add3A_870 {offsets = [0, 128], sizes = [8, 128], strides = [1, 1]} : vector<8x512xf32> to vector<8x128xf32>
      %add3A_873 = arith.addf %slice3A_871, %slice3A_872 : vector<8x128xf32>
      %slice3A_874 = vector.extract_strided_slice %add3A_870 {offsets = [0, 256], sizes = [8, 128], strides = [1, 1]} : vector<8x512xf32> to vector<8x128xf32>
      %add3A_875 = arith.addf %add3A_873, %slice3A_874 : vector<8x128xf32>
      %slice3A_876 = vector.extract_strided_slice %add3A_870 {offsets = [0, 384], sizes = [8, 128], strides = [1, 1]} : vector<8x512xf32> to vector<8x128xf32>
      %add3A_877 = arith.addf %add3A_875, %slice3A_876 : vector<8x128xf32>
      %get3A_878 = arith.constant 18 : index
      %get3A_879 = arith.constant 0 : index
      %get3A_880 = arith.constant 0 : index
      %get3A_881 = vector.load %arg2[%get3A_878, %get3A_879, %get3A_880] : memref<21x8x128xf32, #tpu.memory_space<vmem>>, vector<1x8x128xf32>
      %get3A_882 = vector.shape_cast %get3A_881 : vector<1x8x128xf32> to vector<8x128xf32>
      %add3A_883 = arith.addf %get3A_882, %add3A_877 : vector<8x128xf32>
      %swap3A_884 = arith.constant 18 : index
      %swap3A_885 = arith.constant 0 : index
      %swap3A_886 = arith.constant 0 : index
      %swap3A_887 = vector.load %arg2[%swap3A_884, %swap3A_885, %swap3A_886] : memref<21x8x128xf32, #tpu.memory_space<vmem>>, vector<1x8x128xf32>
      %swap3A_888 = vector.shape_cast %swap3A_887 : vector<1x8x128xf32> to vector<8x128xf32>
      %swap3A_889 = vector.shape_cast %add3A_883 : vector<8x128xf32> to vector<1x8x128xf32>
      tpu.vector_store %arg2[%swap3A_884, %swap3A_885, %swap3A_886], %swap3A_889 {strides = array<i32>} : memref<21x8x128xf32, #tpu.memory_space<vmem>>, vector<1x8x128xf32>,
      %eq3A_890 = arith.constant 19 : i32
      %eq3A_891 = vector.broadcast %eq3A_890 : i32 to vector<64x512xi32>
      %eq3A_892 = arith.cmpi eq, %get3A_129, %eq3A_891 : vector<64x512xi32>
      %jit3A_893 = arith.constant 0.000000e+00 : f32
      %broadcast_in_dim3A_894 = vector.broadcast %jit3A_893 : f32 to vector<64x512xf32>
      %select_n3A_895 = arith.select %eq3A_892, %div3A, %broadcast_in_dim3A_894 : vector<64x512xi1>, vector<64x512xf32>
      %slice3A_896 = vector.extract_strided_slice %select_n3A_895 {offsets = [0, 0], sizes = [8, 512], strides = [1, 1]} : vector<64x512xf32> to vector<8x512xf32>
      %slice3A_897 = vector.extract_strided_slice %select_n3A_895 {offsets = [8, 0], sizes = [8, 512], strides = [1, 1]} : vector<64x512xf32> to vector<8x512xf32>
      %add3A_898 = arith.addf %slice3A_896, %slice3A_897 : vector<8x512xf32>
      %slice3A_899 = vector.extract_strided_slice %select_n3A_895 {offsets = [16, 0], sizes = [8, 512], strides = [1, 1]} : vector<64x512xf32> to vector<8x512xf32>
      %add3A_900 = arith.addf %add3A_898, %slice3A_899 : vector<8x512xf32>
      %slice3A_901 = vector.extract_strided_slice %select_n3A_895 {offsets = [24, 0], sizes = [8, 512], strides = [1, 1]} : vector<64x512xf32> to vector<8x512xf32>
      %add3A_902 = arith.addf %add3A_900, %slice3A_901 : vector<8x512xf32>
      %slice3A_903 = vector.extract_strided_slice %select_n3A_895 {offsets = [32, 0], sizes = [8, 512], strides = [1, 1]} : vector<64x512xf32> to vector<8x512xf32>
      %add3A_904 = arith.addf %add3A_902, %slice3A_903 : vector<8x512xf32>
      %slice3A_905 = vector.extract_strided_slice %select_n3A_895 {offsets = [40, 0], sizes = [8, 512], strides = [1, 1]} : vector<64x512xf32> to vector<8x512xf32>
      %add3A_906 = arith.addf %add3A_904, %slice3A_905 : vector<8x512xf32>
      %slice3A_907 = vector.extract_strided_slice %select_n3A_895 {offsets = [48, 0], sizes = [8, 512], strides = [1, 1]} : vector<64x512xf32> to vector<8x512xf32>
      %add3A_908 = arith.addf %add3A_906, %slice3A_907 : vector<8x512xf32>
      %slice3A_909 = vector.extract_strided_slice %select_n3A_895 {offsets = [56, 0], sizes = [8, 512], strides = [1, 1]} : vector<64x512xf32> to vector<8x512xf32>
      %add3A_910 = arith.addf %add3A_908, %slice3A_909 : vector<8x512xf32>
      %slice3A_911 = vector.extract_strided_slice %add3A_910 {offsets = [0, 0], sizes = [8, 128], strides = [1, 1]} : vector<8x512xf32> to vector<8x128xf32>
      %slice3A_912 = vector.extract_strided_slice %add3A_910 {offsets = [0, 128], sizes = [8, 128], strides = [1, 1]} : vector<8x512xf32> to vector<8x128xf32>
      %add3A_913 = arith.addf %slice3A_911, %slice3A_912 : vector<8x128xf32>
      %slice3A_914 = vector.extract_strided_slice %add3A_910 {offsets = [0, 256], sizes = [8, 128], strides = [1, 1]} : vector<8x512xf32> to vector<8x128xf32>
      %add3A_915 = arith.addf %add3A_913, %slice3A_914 : vector<8x128xf32>
      %slice3A_916 = vector.extract_strided_slice %add3A_910 {offsets = [0, 384], sizes = [8, 128], strides = [1, 1]} : vector<8x512xf32> to vector<8x128xf32>
      %add3A_917 = arith.addf %add3A_915, %slice3A_916 : vector<8x128xf32>
      %get3A_918 = arith.constant 19 : index
      %get3A_919 = arith.constant 0 : index
      %get3A_920 = arith.constant 0 : index
      %get3A_921 = vector.load %arg2[%get3A_918, %get3A_919, %get3A_920] : memref<21x8x128xf32, #tpu.memory_space<vmem>>, vector<1x8x128xf32>
      %get3A_922 = vector.shape_cast %get3A_921 : vector<1x8x128xf32> to vector<8x128xf32>
      %add3A_923 = arith.addf %get3A_922, %add3A_917 : vector<8x128xf32>
      %swap3A_924 = arith.constant 19 : index
      %swap3A_925 = arith.constant 0 : index
      %swap3A_926 = arith.constant 0 : index
      %swap3A_927 = vector.load %arg2[%swap3A_924, %swap3A_925, %swap3A_926] : memref<21x8x128xf32, #tpu.memory_space<vmem>>, vector<1x8x128xf32>
      %swap3A_928 = vector.shape_cast %swap3A_927 : vector<1x8x128xf32> to vector<8x128xf32>
      %swap3A_929 = vector.shape_cast %add3A_923 : vector<8x128xf32> to vector<1x8x128xf32>
      tpu.vector_store %arg2[%swap3A_924, %swap3A_925, %swap3A_926], %swap3A_929 {strides = array<i32>} : memref<21x8x128xf32, #tpu.memory_space<vmem>>, vector<1x8x128xf32>,
      %eq3A_930 = arith.constant 20 : i32
      %eq3A_931 = vector.broadcast %eq3A_930 : i32 to vector<64x512xi32>
      %eq3A_932 = arith.cmpi eq, %get3A_129, %eq3A_931 : vector<64x512xi32>
      %jit3A_933 = arith.constant 0.000000e+00 : f32
      %broadcast_in_dim3A_934 = vector.broadcast %jit3A_933 : f32 to vector<64x512xf32>
      %select_n3A_935 = arith.select %eq3A_932, %div3A, %broadcast_in_dim3A_934 : vector<64x512xi1>, vector<64x512xf32>
      %slice3A_936 = vector.extract_strided_slice %select_n3A_935 {offsets = [0, 0], sizes = [8, 512], strides = [1, 1]} : vector<64x512xf32> to vector<8x512xf32>
      %slice3A_937 = vector.extract_strided_slice %select_n3A_935 {offsets = [8, 0], sizes = [8, 512], strides = [1, 1]} : vector<64x512xf32> to vector<8x512xf32>
      %add3A_938 = arith.addf %slice3A_936, %slice3A_937 : vector<8x512xf32>
      %slice3A_939 = vector.extract_strided_slice %select_n3A_935 {offsets = [16, 0], sizes = [8, 512], strides = [1, 1]} : vector<64x512xf32> to vector<8x512xf32>
      %add3A_940 = arith.addf %add3A_938, %slice3A_939 : vector<8x512xf32>
      %slice3A_941 = vector.extract_strided_slice %select_n3A_935 {offsets = [24, 0], sizes = [8, 512], strides = [1, 1]} : vector<64x512xf32> to vector<8x512xf32>
      %add3A_942 = arith.addf %add3A_940, %slice3A_941 : vector<8x512xf32>
      %slice3A_943 = vector.extract_strided_slice %select_n3A_935 {offsets = [32, 0], sizes = [8, 512], strides = [1, 1]} : vector<64x512xf32> to vector<8x512xf32>
      %add3A_944 = arith.addf %add3A_942, %slice3A_943 : vector<8x512xf32>
      %slice3A_945 = vector.extract_strided_slice %select_n3A_935 {offsets = [40, 0], sizes = [8, 512], strides = [1, 1]} : vector<64x512xf32> to vector<8x512xf32>
      %add3A_946 = arith.addf %add3A_944, %slice3A_945 : vector<8x512xf32>
      %slice3A_947 = vector.extract_strided_slice %select_n3A_935 {offsets = [48, 0], sizes = [8, 512], strides = [1, 1]} : vector<64x512xf32> to vector<8x512xf32>
      %add3A_948 = arith.addf %add3A_946, %slice3A_947 : vector<8x512xf32>
      %slice3A_949 = vector.extract_strided_slice %select_n3A_935 {offsets = [56, 0], sizes = [8, 512], strides = [1, 1]} : vector<64x512xf32> to vector<8x512xf32>
      %add3A_950 = arith.addf %add3A_948, %slice3A_949 : vector<8x512xf32>
      %slice3A_951 = vector.extract_strided_slice %add3A_950 {offsets = [0, 0], sizes = [8, 128], strides = [1, 1]} : vector<8x512xf32> to vector<8x128xf32>
      %slice3A_952 = vector.extract_strided_slice %add3A_950 {offsets = [0, 128], sizes = [8, 128], strides = [1, 1]} : vector<8x512xf32> to vector<8x128xf32>
      %add3A_953 = arith.addf %slice3A_951, %slice3A_952 : vector<8x128xf32>
      %slice3A_954 = vector.extract_strided_slice %add3A_950 {offsets = [0, 256], sizes = [8, 128], strides = [1, 1]} : vector<8x512xf32> to vector<8x128xf32>
      %add3A_955 = arith.addf %add3A_953, %slice3A_954 : vector<8x128xf32>
      %slice3A_956 = vector.extract_strided_slice %add3A_950 {offsets = [0, 384], sizes = [8, 128], strides = [1, 1]} : vector<8x512xf32> to vector<8x128xf32>
      %add3A_957 = arith.addf %add3A_955, %slice3A_956 : vector<8x128xf32>
      %get3A_958 = arith.constant 20 : index
      %get3A_959 = arith.constant 0 : index
      %get3A_960 = arith.constant 0 : index
      %get3A_961 = vector.load %arg2[%get3A_958, %get3A_959, %get3A_960] : memref<21x8x128xf32, #tpu.memory_space<vmem>>, vector<1x8x128xf32>
      %get3A_962 = vector.shape_cast %get3A_961 : vector<1x8x128xf32> to vector<8x128xf32>
      %add3A_963 = arith.addf %get3A_962, %add3A_957 : vector<8x128xf32>
      %swap3A_964 = arith.constant 20 : index
      %swap3A_965 = arith.constant 0 : index
      %swap3A_966 = arith.constant 0 : index
      %swap3A_967 = vector.load %arg2[%swap3A_964, %swap3A_965, %swap3A_966] : memref<21x8x128xf32, #tpu.memory_space<vmem>>, vector<1x8x128xf32>
      %swap3A_968 = vector.shape_cast %swap3A_967 : vector<1x8x128xf32> to vector<8x128xf32>
      %swap3A_969 = vector.shape_cast %add3A_963 : vector<8x128xf32> to vector<1x8x128xf32>
      tpu.vector_store %arg2[%swap3A_964, %swap3A_965, %swap3A_966], %swap3A_969 {strides = array<i32>} : memref<21x8x128xf32, #tpu.memory_space<vmem>>, vector<1x8x128xf32>,
    }
    %scan3A_90 = arith.constant 64 : i32
    return
  }
}

module attributes {stable_mosaic.version = 14 : i64} {
  func.func @_combine_kernel(%arg0: memref<21x8x128xf32, #tpu.memory_space<vmem>>, %arg1: memref<32x24x16xi32, #tpu.memory_space<vmem>>, %arg2: memref<1x1xf32, #tpu.memory_space<smem>>) attributes {dimension_semantics = [], scalar_prefetch = 0 : i64, scratch_operands = 0 : i64, tpu.core_type = #tpu.core_type<tc>} {
    %get3A = arith.constant 0 : index
    %get3A_0 = arith.constant 0 : index
    %get3A_1 = arith.constant 0 : index
    %get3A_2 = vector.load %arg0[%get3A, %get3A_0, %get3A_1] : memref<21x8x128xf32, #tpu.memory_space<vmem>>, vector<21x8x128xf32>
    %reduce_sum3A = arith.constant dense<0.000000e+00> : vector<21xf32>
    %reduce_sum3A_3 = vector.multi_reduction <add>, %get3A_2, %reduce_sum3A [1, 2] : vector<21x8x128xf32> to vector<21xf32>
    %broadcast_in_dim3A = vector.shape_cast %reduce_sum3A_3 : vector<21xf32> to vector<21x1x1xf32>
    %get3A_4 = arith.constant 0 : index
    %get3A_5 = arith.constant 0 : index
    %get3A_6 = arith.constant 0 : index
    %get3A_7 = vector.load %arg1[%get3A_4, %get3A_5, %get3A_6] : memref<32x24x16xi32, #tpu.memory_space<vmem>>, vector<32x24x16xi32>
    %convert_element_type3A = arith.sitofp %get3A_7 : vector<32x24x16xi32> to vector<32x24x16xf32>
    %reduce_sum3A_8 = arith.constant dense<0.000000e+00> : vector<24x16xf32>
    %reduce_sum3A_9 = vector.multi_reduction <add>, %convert_element_type3A, %reduce_sum3A_8 [0] : vector<32x24x16xf32> to vector<24x16xf32>
    %reduce_sum3A_10 = arith.constant dense<0.000000e+00> : vector<24xf32>
    %reduce_sum3A_11 = vector.multi_reduction <add>, %reduce_sum3A_9, %reduce_sum3A_10 [1] : vector<24x16xf32> to vector<24xf32>
    %broadcast_in_dim3A_12 = vector.shape_cast %reduce_sum3A_11 : vector<24xf32> to vector<24x1xf32>
    %slice3A = vector.extract_strided_slice %broadcast_in_dim3A_12 {offsets = [0, 0], sizes = [21, 1], strides = [1, 1]} : vector<24x1xf32> to vector<21x1xf32>
    %broadcast_in_dim3A_13 = vector.shape_cast %slice3A : vector<21x1xf32> to vector<21x1x1xf32>
    %reduce_sum3A_14 = vector.shape_cast %broadcast_in_dim3A_13 : vector<21x1x1xf32> to vector<1x21x1x1xf32>
    %reduce_sum3A_15 = arith.constant dense<0.000000e+00> : vector<1xf32>
    %reduce_sum3A_16 = vector.multi_reduction <add>, %reduce_sum3A_14, %reduce_sum3A_15 [1, 2, 3] : vector<1x21x1x1xf32> to vector<1xf32>
    %reduce_sum3A_17 = vector.shape_cast %reduce_sum3A_16 : vector<1xf32> to vector<1x1x1x1xf32>
    %reduce_sum3A_18 = vector.extract %reduce_sum3A_17[0, 0, 0, 0] : f32 from vector<1x1x1x1xf32>
    %gt3A = arith.constant 0.000000e+00 : f32
    %gt3A_19 = vector.broadcast %gt3A : f32 to vector<21x1x1xf32>
    %gt3A_20 = arith.cmpf ogt, %broadcast_in_dim3A_13, %gt3A_19 : vector<21x1x1xf32>
    %max3A = arith.constant 1.000000e+00 : f32
    %max3A_21 = vector.broadcast %max3A : f32 to vector<21x1x1xf32>
    %max3A_22 = arith.maximumf %broadcast_in_dim3A_13, %max3A_21 : vector<21x1x1xf32>
    %log3A = math.log %max3A_22 : vector<21x1x1xf32>
    %mul3A = arith.constant 2.000000e-01 : f32
    %mul3A_23 = vector.broadcast %mul3A : f32 to vector<21x1x1xf32>
    %mul3A_24 = arith.mulf %mul3A_23, %log3A : vector<21x1x1xf32>
    %exp3A = math.exp %mul3A_24 : vector<21x1x1xf32>
    %jit3A = arith.constant 0.000000e+00 : f32
    %broadcast_in_dim3A_25 = vector.broadcast %jit3A : f32 to vector<21x1x1xf32>
    %select_n3A = arith.select %gt3A_20, %exp3A, %broadcast_in_dim3A_25 : vector<21x1x1xi1>, vector<21x1x1xf32>
    %max3A_26 = arith.constant 1.000000e+00 : f32
    %max3A_27 = arith.maximumf %reduce_sum3A_18, %max3A_26 : f32
    %log3A_28 = math.log %max3A_27 : f32
    %mul3A_29 = arith.constant 8.000000e-01 : f32
    %mul3A_30 = arith.mulf %mul3A_29, %log3A_28 : f32
    %exp3A_31 = math.exp %mul3A_30 : f32
    %mul3A_32 = vector.broadcast %exp3A_31 : f32 to vector<21x1x1xf32>
    %mul3A_33 = arith.mulf %select_n3A, %mul3A_32 : vector<21x1x1xf32>
    %max3A_34 = arith.constant 1.000000e+00 : f32
    %max3A_35 = vector.broadcast %max3A_34 : f32 to vector<21x1x1xf32>
    %max3A_36 = arith.maximumf %mul3A_33, %max3A_35 : vector<21x1x1xf32>
    %div3A = arith.divf %broadcast_in_dim3A, %max3A_36 : vector<21x1x1xf32>
    %reduce_sum3A_37 = vector.shape_cast %div3A : vector<21x1x1xf32> to vector<1x21x1x1xf32>
    %reduce_sum3A_38 = arith.constant dense<0.000000e+00> : vector<1xf32>
    %reduce_sum3A_39 = vector.multi_reduction <add>, %reduce_sum3A_37, %reduce_sum3A_38 [1, 2, 3] : vector<1x21x1x1xf32> to vector<1xf32>
    %reduce_sum3A_40 = vector.shape_cast %reduce_sum3A_39 : vector<1xf32> to vector<1x1x1x1xf32>
    %reduce_sum3A_41 = vector.extract %reduce_sum3A_40[0, 0, 0, 0] : f32 from vector<1x1x1x1xf32>
    %neg3A = arith.constant 0.000000e+00 : f32
    %neg3A_42 = arith.subf %neg3A, %reduce_sum3A_41 : f32
    %div3A_43 = arith.constant 1.680000e+02 : f32
    %div3A_44 = arith.divf %neg3A_42, %div3A_43 : f32
    %swap3A = arith.constant 0 : index
    %swap3A_45 = arith.constant 0 : index
    %swap3A_46 = memref.load %arg2[%swap3A, %swap3A_45] : memref<1x1xf32, #tpu.memory_space<smem>>
    memref.store %div3A_44, %arg2[%swap3A, %swap3A_45] : memref<1x1xf32, #tpu.memory_space<smem>>
    return
  }
}

</mosaic_0001>

<sc_bundles>
// kernel: kernel.5.cloned.1.call-start
scs
__scs_entry_jumppad:
0x0: {  	(pc) =	sbr.rel $0x88, $3  }
0x1: {  	(tag) =	ssettag $0x0;
	lr =	simm.s32 $0x1  }
0x2: {  	[smem:$0x3F9F] =	sst lr;
	_ =	strace $0xD0000000  }
0x3: {  	_ = 	snop  }
0x4: {  	_ = 	snop  }
0x5: {  	_ = 	snop  }
0x6: {  	_ = 	snop  }
0x7: {  	_ = 	snop  }
__scs_overlays_trampoline_lowered:
0x8: {  	[smem:$0x3FAE] =	sst s0  }
0x9: {  	[smem:$0x3FAF] =	sst s1  }
0xa: {  	[smem:$0x3FB0] =	sst s2  }
0xb: {  	[smem:$0x3FB1] =	sst s3  }
0xc: {  	[smem:$0x3FB2] =	sst s4  }
0xd: {  	[smem:$0x3FB3] =	sst s5  }
0xe: {  	[smem:$0x3FB4] =	sst s6  }
0xf: {  	[smem:$0x3FB5] =	sst s7  }
0x10: {  	[smem:$0x3FB6] =	sst s8  }
0x11: {  	[smem:$0x3FB7] =	sst s9;
	s0 =	simm.s32 @!p0 $0x0  }
0x12: {  	s1 =	sld [smem:$0x3F9D];
	s0 =	simm.s32 @p0 $0x1  }
0x13: {  	[smem:$0x3FB8] =	sst s0;
	s0 =	simm.s32 @!p1 $0x0  }
0x14: {  	s2 =	sld [smem:$0x3F9C];
	s0 =	simm.s32 @p1 $0x1  }
0x15: {  	[smem:$0x3FB9] =	sst s0;
	s0 =	simm.s32 @!p2 $0x0  }
0x16: {  	s3 =	sld [smem:$0x3FDB];
	s0 =	simm.s32 @p2 $0x1  }
0x17: {  	s4 =	simm.s32 $0x1BF5;
	[smem:$0x3FBB] =	sst s0  }
0x18: {  	s0 =	sld [smem:$0x3F9E];
	_ =	swait.ge [sflag:s4], $0x0  }
0x19: {  	s7 =	sld [smem:$0x3F9F]  }
0x1a: {  	s8 =	sadd.s32 $0xFFFFE003, lr  }
0x1b: {  	s9 =	sadd.s32 $0xFFFFFEF7, lr;
	s5 =	simm.s32 $0xFFFFFFFF;
	p2 =	slt.u32 s8, $0xFFFFF086  }
0x1c: {  	p1 =	slt.u32 s9, $0xF7A;
	s5 =	simm.s32 @!p2 $0x0  }
0x1d: {  	s5 =	simm.s32 @p1 $0x1;
	p0 =	seq.s32 s7, s2  }
0x1e: {  	s7 =	smul.u32 @!p0 $0xF7A, s2;
	p2 =	seq.s32 @!p0 s5, $0x0  }
0x1f: {  	s9 =	smul.u32 $0xF7A, s1;
	s8 =	simm.s32 @!p0 $0x1BF5;
	p2 =	por !p2, p0  }
0x20: {  	[sflag:s8] =	ssyncset.s32 @!p0 $0xFFFFF086;
	s6 =	sadd.s32 @!p0 s3, s7;
	s7 =	simm.s32 @!p0 $0x108  }
0x21: {  	s3 =	sadd.s32 s3, s9;
	s6 =	sadd.s32 @!p0 $0x88, s6;
	s7 =	simm.s32 @p2 $0x1082  }
0x22: {  	[simem:s7], [sflag:s8] =	dma.local @!p0 [hbm:s6], $0xF7A  }
0x23: {  	s9 =	sor.u32 $0xD0000000, s2;
	s6 =	simm.s32 $0x108;
	_ =	swait.ge @!p0 [sflag:s8], $0x0  }
0x24: {  	s3 =	sadd.s32 $0x88, s3;
	s6 =	simm.s32 @!p1 $0x1082;
	[sflag:s4] =	ssyncset.s32 $0xFFFFF086  }
0x25: {  	[simem:s6], [sflag:s4] =	dma.local [hbm:s3], $0xF7A  }
0x26: {  	[smem:$0x3F9F] =	sst s1;
	(tag) =	ssettag s2;
	_ =	strace s9  }
0x27: {  	s1 =	sld [smem:$0x3FAF]  }
0x28: {  	s2 =	sld [smem:$0x3FB0]  }
0x29: {  	s4 =	sld [smem:$0x3FB2]  }
0x2a: {  	p0 =	seq.s32 s5, $0x0;
	s5 =	sld [smem:$0x3FB3]  }
0x2b: {  	s6 =	sld [smem:$0x3FB4]  }
0x2c: {  	s7 =	sld [smem:$0x3FB5]  }
0x2d: {  	s3 =	simm.s32 $0x108;
	s8 =	sld [smem:$0x3FB6]  }
0x2e: {  	s3 =	simm.s32 @!p0 $0x1082;
	s9 =	sld [smem:$0x3FB7]  }
0x2f: {  	lr =	sadd.s32 s0, s3;
	s0 =	sld [smem:$0x3FAE]  }
0x30: {  	s3 =	sld [smem:$0x3FB1]  }
0x31: {  	[smem:$0x3FBA] =	sst s10  }
0x32: {  	s10 =	sld [smem:$0x3FB8];
	_ =	sdelay $0x3  }
0x33: {  	p0 =	seq.s32 s10, $0x1;
	s10 =	sld [smem:$0x3FBA];
	_ =	sdelay $0x3  }
0x34: {  	[smem:$0x3FBA] =	sst s10  }
0x35: {  	s10 =	sld [smem:$0x3FB9];
	_ =	sdelay $0x3  }
0x36: {  	p1 =	seq.s32 s10, $0x1;
	s10 =	sld [smem:$0x3FBA];
	_ =	sdelay $0x3  }
0x37: {  	[smem:$0x3FBA] =	sst s10  }
0x38: {  	s10 =	sld [smem:$0x3FBB]  }
0x39: {  	_ = 	snop;
	(pc) =	sbr.ind lr, $3  }
0x3a: {  	_ = 	snop  }
0x3b: {  	_ = 	snop  }
0x3c: {  	p2 =	seq.s32 s10, $0x1;
	s10 =	sld [smem:$0x3FBA]  }
0x3d: {  	_ =	shalt  }
0x3e: {  	_ =	shalt  }
0x3f: {  	_ =	shalt  }
0x40: {  	_ =	shalt  }
0x41: {  	_ =	shalt  }
0x42: {  	_ =	shalt  }
0x43: {  	_ =	shalt  }
0x44: {  	_ =	shalt  }
0x45: {  	_ =	shalt  }
0x46: {  	_ =	shalt  }
0x47: {  	_ =	shalt  }
0x48: {  	_ =	shalt  }
0x49: {  	_ =	shalt  }
0x4a: {  	_ =	shalt  }
0x4b: {  	_ =	shalt  }
0x4c: {  	_ =	shalt  }
0x4d: {  	_ =	shalt  }
0x4e: {  	_ =	shalt  }
0x4f: {  	_ =	shalt  }
0x50: {  	_ =	shalt  }
0x51: {  	_ =	shalt  }
0x52: {  	_ =	shalt  }
0x53: {  	_ =	shalt  }
0x54: {  	_ =	shalt  }
0x55: {  	_ =	shalt  }
0x56: {  	_ =	shalt  }
0x57: {  	_ =	shalt  }
0x58: {  	_ =	shalt  }
0x59: {  	_ =	shalt  }
0x5a: {  	_ =	shalt  }
0x5b: {  	_ =	shalt  }
0x5c: {  	_ =	shalt  }
0x5d: {  	_ =	shalt  }
0x5e: {  	_ =	shalt  }
0x5f: {  	_ =	shalt  }
0x60: {  	_ =	shalt  }
0x61: {  	_ =	shalt  }
0x62: {  	_ =	shalt  }
0x63: {  	_ =	shalt  }
0x64: {  	_ =	shalt  }
0x65: {  	_ =	shalt  }
0x66: {  	_ =	shalt  }
0x67: {  	_ =	shalt  }
0x68: {  	_ =	shalt  }
0x69: {  	_ =	shalt  }
0x6a: {  	_ =	shalt  }
0x6b: {  	_ =	shalt  }
0x6c: {  	_ =	shalt  }
0x6d: {  	_ =	shalt  }
0x6e: {  	_ =	shalt  }
0x6f: {  	_ =	shalt  }
0x70: {  	_ =	shalt  }
0x71: {  	_ =	shalt  }
0x72: {  	_ =	shalt  }
0x73: {  	_ =	shalt  }
0x74: {  	_ =	shalt  }
0x75: {  	_ =	shalt  }
0x76: {  	_ =	shalt  }
0x77: {  	_ =	shalt  }
0x78: {  	_ =	shalt  }
0x79: {  	_ =	shalt  }
0x7a: {  	_ =	shalt  }
0x7b: {  	_ =	shalt  }
0x7c: {  	_ =	shalt  }
0x7d: {  	_ =	shalt  }
0x7e: {  	_ =	shalt  }
0x7f: {  	_ =	shalt  }
0x80: {  	_ =	shalt  }
0x81: {  	_ =	shalt  }
0x82: {  	_ =	shalt  }
0x83: {  	_ =	shalt  }
0x84: {  	_ =	shalt  }
0x85: {  	_ =	shalt  }
0x86: {  	_ =	shalt  }
0x87: {  	_ =	shalt  }
.Lfunc_end0:
.L_simem_size_0:
called_computation_lowered:
.L_overlay_start_0:
0x88: {  	s2 =	sld [smem:$0x3FD9]  }
0x89: {  	s3 =	sld [smem:$0x3FFE];
	_ =	sdelay $0x1  }
0x8a: {  	s1 =	srdreg.scid  }
0x8b: {  	s0 =	sand.u32 $0x1, s1  }
0x8c: {  	s16 =	sshll.u32 s0, $0xA;
	s2 =	sadd.s32 s3, s2  }
0x8d: {  	s2 =	sadd.s32 s2, s16  }
0x8e: {  	[smem:$0x3FC6] =	sst s2  }
0x8f: {  	_ = 	snop  }
0x90: {  	(tm) =	ssettm $0x1  }
0x91: {  	s17 =	sld [smem:$0x3FFB];
	_ =	sdelay $0x3  }
0x92: {  	_ =	strace s17  }
0x93: {  	s2 =	sld [smem:$0x3FFC];
	_ =	sdelay $0x3  }
0x94: {  	_ =	strace s2  }
0x95: {  	s2 =	sld [smem:$0x3FFD];
	_ =	sdelay $0x3  }
0x96: {  	_ =	strace s2  }
0x97: {  	_ =	strace $0x8FFFFFFF  }
0x98: {  	s18 =	sld [smem:$0x3FDB];
	_ =	sdelay $0x1  }
0x99: {  	s19 =	simm.s32 $_scs_section_size  }
0x9a: {  	s4 =	simm.s32 $_size__tile_overlayer_lowered;
	s5 =	simm.s32 $_tile_overlayer_lowered  }
0x9b: {  	s22 =	simm.s32 $0x1BFF;
	s21 =	sshll.u32 s5, $0x1;
	s2 =	sadd.s32 s19, s18  }
0x9c: {  	s6 =	simm.s32 $0x0;
	s20 =	sshll.u32 s4, $0x1;
	s4 =	sadd.s32 s21, s2  }
0x9d: {  	[timem:s6], [sflag:s22] =	dma.local [hbm:s4], s20  }
0x9e: {  	_ =	swait.ge [sflag:s22], s20  }
0x9f: {  	s3 =	ssub.s32 $0x0, s20;
	[sflag:s22] =	ssyncset.done $0x0  }
0xa0: {  	[sflag:s22] =	ssyncadd.s32 s3;
	_ =	sdelay $0x1  }
0xa1: {  	s23 =	simm.s32 $0x1B8B  }
0xa2: {  	_ =	swait.ge [sflag:s23], $0x1  }
0xa3: {  	[sflag:s23] =	ssyncset.done $0x0  }
0xa4: {  	s25 =	simm.s32 $0x1B8E;
	s24 =	sld [smem:$0x3FFE];
	[sflag:s23] =	ssyncadd.s32 $0xFFFFFFFF  }
0xa5: {  	s26 =	simm.s32 $execute0_lowered;
	[smem:$0x3FD2] =	sst s25  }
0xa6: {  	s4 =	sshll.u32 s26, $0x1;
	_ =	strace $0x80000046;
	[dreg:$0x1] =	wrdreg $0xFFFFFFFF  }
0xa7: {  	s28 =	simm.s32 $_size_execute0_lowered;
	s2 =	sadd.s32 s2, s4;
	[dreg:$0x0] =	wrdreg $0x0  }
0xa8: {  	s4 =	sshll.u32 s28, $0x1;
	[dreg:$0x2] =	wrdreg s2  }
0xa9: {  	[dreg:$0x3] =	wrdreg s4  }
0xaa: {  	[dreg:$0x4] =	wrdreg $0xC0  }
0xab: {  	_ =	task [dreg:s6], $0x5FFFF  }
0xac: {  	[dreg:$0x1] =	wrdreg $0xFFFFFFFF  }
0xad: {  	[dreg:$0x0] =	wrdreg $0x60  }
0xae: {  	[dreg:$0x2] =	wrdreg s24  }
0xaf: {  	[dreg:$0x3] =	wrdreg $0x9  }
0xb0: {  	_ =	task.clear_ibuf [dreg:s6], $0x4FFFF;
	_ =	strace $0x90000046  }
0xb1: {  	s29 =	simm.s32 $0x9;
	_ =	strace $0x80000048  }
0xb2: {  	_ =	swait.ge [sflag:s29], $0x1  }
0xb3: {  	[sflag:s29] =	ssyncadd.s32 $0xFFFFFFFF  }
0xb4: {  	_ =	strace $0x90000048  }
0xb5: {  	_ =	sfence  }
0xb6: {  	s30 =	sld [smem:$0x0];
	_ =	sdelay $0x2  }
0xb7: {  	s31 =	sshll.u32 s1, $0xD;
	s1 =	sshrl.u32 s1, $0x2  }
0xb8: {  	s3 =	sand.u32 $0x4000, s31;
	s1 =	sadd.s32 s1, s30  }
0xb9: {  	s0 =	sor.u32 s3, s0;
	s1 =	sshll.u32 s1, $0x11  }
0xba: {  	s0 =	sor.u32 s1, s0  }
0xbb: {  	s0 =	sadd.s32 $0x8F2B, s0  }
0xbc: {  	[sflag:s0] =	ssyncadd.remote.s32 $0x1  }
0xbd: {  	_ =	sfence.sel $0xFFFF  }
0xbe: {  	[dreg:$0x0] =	wrdreg $0xFFFFFFFF;
	(pc) =	sbr.abs _section_cstart, $3  }
0xbf: {  	[dreg:$0x1] =	wrdreg $0xFFFFFFFF  }
0xc0: {  	_ =	task.clear_ibuf [dreg:s6], $0x2FFFF;
	_ =	strace $0x9FFFFFFF  }
0xc1: {  	(tm) =	ssettm $0x7FFFFFFF  }
tec
execute0_lowered:
.L_overlay_start_1:
0x0: {  	(tag) =	ssettag $0x1  }
0x1: {  	s1 =	srdreg.scid  }
0x2: {  	s0 =	stileid.u32;
	s3 =	rddreg [dreg:$0x0]  }
0x3: {  	s8 =	simm.s32 $0x80;
	s9 =	simm.s32 $0x400;
	s10 =	simm.s32 $0x0  }
0x4: {  	s4 =	sand.u32 $0x1, s1;
	s2 =	sshll.u32 s0, $0x1;
	s1 =	rddreg [dreg:$0x1]  }
0x5: {  	s6 =	sshrl.u32 s0, $0x2;
	s5 =	sor.u32 s4, s2;
	s2 =	simm.s32 $0x0  }
0x6: {  	s6 =	smul.u32 $0xC00, s6;
	s4 =	ssub.s32 $0x2, s4;
	s7 =	sshll.u32 s5, $0x7  }
0x7: {  	[smem:$0x7FF] =	sst s2;
	s5 =	sshll.u32 s5, $0xD;
	s7 =	sand.u32 $0x380, s7  }
0x8: {  	s30 =	sshrl.u32 s4, $0x1;
	_ =	strace $0x80000047;
	s6 =	sor.u32 s6, s7  }
0x9: {  	s5 =	sadd.s32 s5, s3;
	s31 =	ssub.s32 s4, s30;
	s6 =	sshrl.u32 s6, $0x3  }
0xa: {  	s7 =	simm.s32 $0x10000;
	s6 =	sadd.s32 s6, s3;
	s3 =	sadd.s32 $0xC00, s5  }
0xb: {  	v0 =	vimm.s32 $0x0;
	v1 =	vlaneseq.u32;
	v2 =	vimm.s32 $0x1;
	s5 =	smax.u32 s31, $0x1;
	s4 =	sadd.s32 $0x40C00, s6;
	s6 =	simm.s32 $0x1  }
.LBB2_1:
0xc: {  	[tilespmem:s2], [sflag:$0x1] =	stream.linear.gather [hbm4b:s3+s2], $0x10000, $0x38;
	[tilespmem:$0x10180] =	vst v63  }
0xd: {  	_ =	swait.ge [sflag:s6], $0x10000  }
0xe: {  	[sflag:s6] =	ssyncset.done $0x0  }
0xf: {  	[sflag:s6] =	ssyncadd.s32 $0xFFFF0000  }
0x10: {  	[tilespmem:$0x10000] =	vst v0  }
0x11: {  	[tilespmem:$0x10010] =	vst v0  }
0x12: {  	[tilespmem:$0x10020] =	vst v0  }
0x13: {  	[tilespmem:$0x10030] =	vst v0  }
0x14: {  	[tilespmem:$0x10040] =	vst v0  }
0x15: {  	[tilespmem:$0x10050] =	vst v0  }
0x16: {  	[tilespmem:$0x10060] =	vst v0  }
0x17: {  	[tilespmem:$0x10070] =	vst v0  }
0x18: {  	[tilespmem:$0x10080] =	vst v0  }
0x19: {  	[tilespmem:$0x10090] =	vst v0  }
0x1a: {  	[tilespmem:$0x100A0] =	vst v0  }
0x1b: {  	[tilespmem:$0x100B0] =	vst v0  }
0x1c: {  	[tilespmem:$0x100C0] =	vst v0  }
0x1d: {  	[tilespmem:$0x100D0] =	vst v0  }
0x1e: {  	[tilespmem:$0x100E0] =	vst v0  }
0x1f: {  	[tilespmem:$0x100F0] =	vst v0  }
0x20: {  	[tilespmem:$0x10100] =	vst v0  }
0x21: {  	[tilespmem:$0x10110] =	vst v0  }
0x22: {  	[tilespmem:$0x10120] =	vst v0  }
0x23: {  	[tilespmem:$0x10130] =	vst v0  }
0x24: {  	[tilespmem:$0x10140] =	vst v0  }
0x25: {  	[tilespmem:$0x10150] =	vst v0  }
0x26: {  	[tilespmem:$0x10160] =	vst v0  }
0x27: {  	s12 =	simm.s32 $0x0;
	s11 =	simm.s32 $0x40;
	[tilespmem:$0x10170] =	vst v0  }
.LBB2_2:
0x28: {  	p0 =	sne.s32 s11, $0x3FFC0;
	v3 =	vld [tilespmem:s12+$0x0];
	_ =	sdelay $0x4  }
0x29: {  	v3 =	vshll.u32 v3, $0x4  }
0x2a: {  	v3 =	vor.u32 v1, v3  }
.Ltmp0:
0x2b: {  	(pc) =	sbr.rel @p0 .LBB2_2-.Ltmp0, $2  }
0x2c: {  	_ =	sdelay $0x2  }
0x2d: {  	s12 =	sshra.s32 s11, $0x2;
	s11 =	sadd.s32 $0x40, s11;
	[tilespmem:v3+s7+$0x0] =	vst.idx.add.s32.msk $0xffff, v2  }
0x2e: {  	v3 =	vld [tilespmem:s12+$0x0];
	_ =	sdelay $0x4  }
0x2f: {  	v3 =	vshll.u32 v3, $0x4  }
0x30: {  	v3 =	vor.u32 v1, v3;
	_ =	sdelay $0x2  }
0x31: {  	s10 =	sadd.s32 $0x1, s10  }
0x32: {  	p0 =	sne.s32 s10, s5  }
.Ltmp1:
0x33: {  	[tilespmem:v3+s7+$0x0] =	vst.idx.add.s32.msk $0xffff, v2;
	(pc) =	sbr.rel @p0 .LBB2_1-.Ltmp1, $4  }
0x34: {  	[hbm4b:s4+s8] =	stream.strided.scatter [tilespmem:s7], [sflag:$0x1], $0x180, s9, s8, $0x38;
	[tilespmem:$0x10180] =	vst v63  }
0x35: {  	_ =	swait.ge [sflag:s6], $0x180  }
0x36: {  	[sflag:s6] =	ssyncset.done $0x0  }
0x37: {  	[sflag:s6] =	ssyncadd.s32 $0xFFFFFE80  }
0x38: {  	_ =	sfence.sel $0x180000  }
0x39: {  	[bflag:$0x0] =	sbarrier.arrive $0xFFFF  }
0x3a: {  	p0 =	sne.s32 s0, $0x0;
	_ =	strace $0x90000047  }
0x3b: {  	s0 =	sadd.s32 @!p0 $0x100000, s1;
	[bflag:$0x2] =	sbarrier.arrive $0xFFFF  }
0x3c: {  	[sflag:s0] =	ssyncadd.tile.s32 @!p0 $0x1;
	_ =	shalt  }
.Lfunc_end2:
_tile_overlayer_lowered:
.L_overlay_start_2:
0x3d: {  	(tag) =	ssettag $0x2  }
0x3e: {  	s0 =	rddreg [dreg:$0x0];
	s2 =	stileid.u32  }
0x3f: {  	s1 =	rddreg [dreg:$0x1];
	p0 =	sne.s32 s2, $0x0  }
0x40: {  	s3 =	rddreg [dreg:$0x2];
	[bflag:$0x3] =	sbarrier.arrive $0xFFFF;
	s2 =	simm.s32 @!p0 $0x1C01  }
0x41: {  	[timem:s3], [sflag:s2] =	dma.local @!p0 [hbm:s0], s1  }
0x42: {  	s0 =	simm.s32 @!p0 $0x1  }
0x43: {  	_ =	swait.ge @!p0 [sflag:s0], s1  }
0x44: {  	s1 =	ssub.s32 @!p0 $0x0, s1;
	[sflag:s0] =	ssyncset.done @!p0 $0x0  }
0x45: {  	[sflag:s0] =	ssyncadd.s32 @!p0 s1  }
0x46: {  	[bflag:$0x3] =	sbarrier.arrive $0xFFFF  }
0x47: {  	_ =	shalt  }

</sc_bundles>
